<compile_context>
chip_gen: v7x
topology: tpu7x:2x2x1
jax: 0.10.2.dev20260603
libtpu: 0.0.44.dev20260713+nightly
codegen_flags: <defaults>
</compile_context>

<pallas_src>
import jax
import jax.numpy as jnp
from jax import lax
from jax.experimental import pallas as pl
from jax.experimental.pallas import tpu as pltpu
from jax.experimental.pallas import tpu_sc as plsc

N = 10000
E = 320000
F = 128

NC = 2
NS = 16
NW = NC * NS
L = 16

EPW = E // NW
C = 80
NCHUNK = EPW // C
N_PAD = 10240
RPT = N_PAD // NS


def _spmm_entry(sup_hbm, src_hbm, dst_hbm, w_hbm, zero_hbm, parts_hbm,
                src_v, w_v, dst_c, rows_v, acc, gsem):
    c = lax.axis_index("c")
    s = lax.axis_index("s")
    wid = c * NS + s
    base = wid * EPW

    pltpu.sync_copy(zero_hbm.at[pl.ds(s * RPT, RPT)],
                    acc.at[pl.ds(s * RPT, RPT)])
    pltpu.sync_copy(src_hbm.at[pl.ds(base, EPW)], src_v)
    pltpu.sync_copy(w_hbm.at[pl.ds(base, EPW)], w_v)
    plsc.subcore_barrier()

    def chunk_body(i, carry):
        off = i * C
        cp = pltpu.async_copy(sup_hbm.at[src_v.at[pl.ds(off, C)]], rows_v,
                              gsem)
        pltpu.sync_copy(dst_hbm.at[pl.ds(base + off, C)], dst_c)
        cp.wait()

        def row_body(r, rcarry):
            wb = plsc.load_gather(w_v, [lax.broadcast(off + r, (L,))])
            for j in range(F // L):
                sl = (r, pl.ds(j * L, L))
                rows_v[sl] = rows_v[sl] * wb
            return rcarry

        lax.fori_loop(0, C, row_body, 0)
        pltpu.sync_copy(rows_v, acc.at[dst_c], add=True)
        return carry

    lax.fori_loop(0, NCHUNK, chunk_body, 0)
    plsc.subcore_barrier()
    pltpu.sync_copy(acc.at[pl.ds(s * RPT, RPT)],
                    parts_hbm.at[c, pl.ds(s * RPT, RPT)])


_spmm = pl.kernel(
    _spmm_entry,
    out_type=jax.ShapeDtypeStruct((NC, N_PAD, F), jnp.float32),
    mesh=plsc.VectorSubcoreMesh(core_axis_name="c", subcore_axis_name="s"),
    compiler_params=pltpu.CompilerParams(needs_layout_passes=False),
    scratch_types=[
        pltpu.VMEM((EPW,), jnp.int32),
        pltpu.VMEM((EPW,), jnp.float32),
        pltpu.VMEM((C,), jnp.int32),
        pltpu.VMEM((C, F), jnp.float32),
        pltpu.VMEM_SHARED((N_PAD, F), jnp.float32),
        pltpu.SemaphoreType.DMA,
    ],
)


def _mm_kernel(x_ref, w_ref, o_ref):
    o_ref[...] = jnp.dot(x_ref[...], w_ref[...],
                         preferred_element_type=jnp.float32)


def _mid_kernel(p_ref, b_ref, w_ref, o_ref):
    h = jnp.maximum(p_ref[0] + p_ref[1] + b_ref[...], 0.0)
    o_ref[...] = jnp.dot(h, w_ref[...], preferred_element_type=jnp.float32)


def _out_kernel(p_ref, b_ref, o_ref):
    o_ref[...] = jnp.maximum(p_ref[0] + p_ref[1] + b_ref[...], 0.0)


_BM = 2000


def _mm(x, w):
    return pl.pallas_call(
        _mm_kernel,
        grid=(N // _BM,),
        in_specs=[pl.BlockSpec((_BM, F), lambda i: (i, 0)),
                  pl.BlockSpec((F, F), lambda i: (0, 0))],
        out_specs=pl.BlockSpec((_BM, F), lambda i: (i, 0)),
        out_shape=jax.ShapeDtypeStruct((N, F), jnp.float32),
    )(x, w)


def _mid(parts, b, w):
    return pl.pallas_call(
        _mid_kernel,
        grid=(N // _BM,),
        in_specs=[pl.BlockSpec((NC, _BM, F), lambda i: (0, i, 0)),
                  pl.BlockSpec((1, F), lambda i: (0, 0)),
                  pl.BlockSpec((F, F), lambda i: (0, 0))],
        out_specs=pl.BlockSpec((_BM, F), lambda i: (i, 0)),
        out_shape=jax.ShapeDtypeStruct((N, F), jnp.float32),
    )(parts, b.reshape(1, F), w)


def _final(parts, b):
    return pl.pallas_call(
        _out_kernel,
        grid=(N // _BM,),
        in_specs=[pl.BlockSpec((NC, _BM, F), lambda i: (0, i, 0)),
                  pl.BlockSpec((1, F), lambda i: (0, 0))],
        out_specs=pl.BlockSpec((_BM, F), lambda i: (i, 0)),
        out_shape=jax.ShapeDtypeStruct((N, F), jnp.float32),
    )(parts, b.reshape(1, F))


def kernel(x, edge_index, edge_weight, W1, b1, W2, b2):
    src = edge_index[0]
    dst = edge_index[1]
    zeros = jnp.zeros((N_PAD, F), jnp.float32)
    s1 = _mm(x, W1)
    parts1 = _spmm(s1, src, dst, edge_weight, zeros)
    s2 = _mid(parts1, b1, W2)
    parts2 = _spmm(s2, src, dst, edge_weight, zeros)
    return _final(parts2, b2)

# --- scband reference (transcript-rebuilt; emitter-appended) ---
"""Pipeline reference for scband-gcnsample-58789512348190 (READ-ONLY COPY).

The authoritative reference and input builder live on the scoring server;
editing this copy changes nothing except your own understanding.
"""

import jax, jax.numpy as jnp
import numpy as np

N = 10000
E = 320000
NFEAT = 128
NHID = 128
NHID2 = 128


def setup_inputs(seed: int = 0) -> dict:
    key = jax.random.key(seed)
    ks = jax.random.split(key, 8)
    x = jax.random.normal(ks[0], (N, NFEAT), dtype=jnp.float32)
    edge_index = jax.random.randint(ks[1], (2, E), 0, N, dtype=jnp.int32)
    edge_weight = jax.random.uniform(ks[2], (E,), dtype=jnp.float32)
    # Learned parameters (uniform init as in Kipf GCN reset_parameters)
    stdv1 = 1.0 / np.sqrt(NHID)
    W1 = jax.random.uniform(ks[3], (NFEAT, NHID), dtype=jnp.float32, minval=-stdv1, maxval=stdv1)
    b1 = jax.random.uniform(ks[4], (NHID,), dtype=jnp.float32, minval=-stdv1, maxval=stdv1)
    stdv2 = 1.0 / np.sqrt(NHID2)
    W2 = jax.random.uniform(ks[5], (NHID, NHID2), dtype=jnp.float32, minval=-stdv2, maxval=stdv2)
    b2 = jax.random.uniform(ks[6], (NHID2,), dtype=jnp.float32, minval=-stdv2, maxval=stdv2)
    return {"x": x, "edge_index": edge_index, "edge_weight": edge_weight,
            "W1": W1, "b1": b1, "W2": W2, "b2": b2}


def reference(x, edge_index, edge_weight, W1, b1, W2, b2):
    # GCNSample.forward in eval mode (dropout is identity when training=False)
    src = edge_index[0]
    dst = edge_index[1]
    # gc1: SparseGraphConvolution -> support = x @ W1; out = spmm(adj, support) + b1
    support = x @ W1
    msg = support[src] * edge_weight[:, None]          # gather + scale by adj values
    agg = jax.ops.segment_sum(msg, dst, num_segments=N)  # scatter-add (spmm)
    h = jax.nn.relu(agg + b1)
    # dropout: no-op in eval mode
    # gc2: GraphConvolution -> support = h @ W2; out = spmm(adj, support) + b2
    support2 = h @ W2
    msg2 = support2[src] * edge_weight[:, None]
    agg2 = jax.ops.segment_sum(msg2, dst, num_segments=N)
    out = jax.nn.relu(agg2 + b2)
    return out

if __name__ == "__main__":
    import jax
    _d = setup_inputs()
    print(jax.jit(kernel)(*tuple(_d.values())))

</pallas_src>

<mosaic_0001>
#map = affine_map<(d0, d1) -> (0, 0)>
#map1 = affine_map<(d0, d1) -> (0)>
#map2 = affine_map<(d0, d1) -> (0, 0, 0)>
module attributes {stable_mosaic.version = 14 : i64} {
  func.func @_spmm_entry(%arg0: i32, %arg1: i32, %arg2: memref<10000x128xf32, #tpu.memory_space<hbm>>, %arg3: memref<320000xi32, #tpu.memory_space<hbm>>, %arg4: memref<320000xi32, #tpu.memory_space<hbm>>, %arg5: memref<320000xf32, #tpu.memory_space<hbm>>, %arg6: memref<10240x128xf32, #tpu.memory_space<hbm>>, %arg7: memref<2x10240x128xf32, #tpu.memory_space<hbm>>, %arg8: memref<10000xi32, #tpu.memory_space<vmem>>, %arg9: memref<10000xf32, #tpu.memory_space<vmem>>, %arg10: memref<80xi32, #tpu.memory_space<vmem>>, %arg11: memref<80x128xf32, #tpu.memory_space<vmem>>, %arg12: memref<10240x128xf32, #tpu.memory_space<vmem_shared>>, %arg13: memref<!tpu.dma_semaphore, #tpu.memory_space<semaphore_mem>>) attributes {dimension_semantics = [#tpu.dimension_semantics<core_parallel>, #tpu.dimension_semantics<subcore_parallel>], iteration_bounds = array<i64: 2, 16>, scalar_prefetch = 0 : i64, scratch_operands = 6 : i64, tpu.core_type = #tpu.core_type<sc_vector_subcore>, window_params = [{transform_indices = #map}, {transform_indices = #map1}, {transform_indices = #map1}, {transform_indices = #map1}, {transform_indices = #map}, {transform_indices = #map2}]} {
    %mul3A = arith.constant 16 : i32
    %mul3A_0 = arith.muli %arg0, %mul3A : i32
    %add3A = arith.addi %mul3A_0, %arg1 : i32
    %mul3A_1 = arith.constant 10000 : i32
    %mul3A_2 = arith.muli %add3A, %mul3A_1 : i32
    %mul3A_3 = arith.constant 640 : i32
    %mul3A_4 = arith.muli %arg1, %mul3A_3 : i32
    %mul3A_5 = arith.constant 640 : i32
    %mul3A_6 = arith.muli %arg1, %mul3A_5 : i32
    "tpu.region"() ({
      %run_scoped3A = tpu.sem_alloc : memref<!tpu.dma_semaphore, #tpu.memory_space<semaphore_mem>>
      %dma_start3A = arith.constant 0 : i32
      %dma_start3A_17 = tpu.memref_slice %arg12[%mul3A_6, %dma_start3A] : memref<10240x128xf32, #tpu.memory_space<vmem_shared>> -> memref<640x128xf32, #tpu.memory_space<vmem_shared>>
      %dma_start3A_18 = arith.constant 0 : i32
      %dma_start3A_19 = tpu.memref_slice %arg6[%mul3A_4, %dma_start3A_18] : memref<10240x128xf32, #tpu.memory_space<hbm>> -> memref<640x128xf32, #tpu.memory_space<hbm>>
      tpu.enqueue_dma source(%dma_start3A_19 : memref<640x128xf32, #tpu.memory_space<hbm>>) target(%dma_start3A_17 : memref<640x128xf32, #tpu.memory_space<vmem_shared>>) target_semaphore(%run_scoped3A : memref<!tpu.dma_semaphore, #tpu.memory_space<semaphore_mem>>)
      %dma_wait3A = arith.constant 0 : i32
      %dma_wait3A_20 = tpu.memref_slice %arg12[%mul3A_6, %dma_wait3A] : memref<10240x128xf32, #tpu.memory_space<vmem_shared>> -> memref<640x128xf32, #tpu.memory_space<vmem_shared>>
      %dma_wait3A_21 = arith.constant 0 : i32
      %dma_wait3A_22 = tpu.memref_slice %arg6[%mul3A_4, %dma_wait3A_21] : memref<10240x128xf32, #tpu.memory_space<hbm>> -> memref<640x128xf32, #tpu.memory_space<hbm>>
      tpu.wait_dma2 semaphore(%run_scoped3A : memref<!tpu.dma_semaphore, #tpu.memory_space<semaphore_mem>>) src(%dma_wait3A_22 : memref<640x128xf32, #tpu.memory_space<hbm>>) dst(%dma_wait3A_20 : memref<640x128xf32, #tpu.memory_space<vmem_shared>>)
      tpu.yield
    }) : () -> ()
    "tpu.region"() ({
      %run_scoped3A = tpu.sem_alloc : memref<!tpu.dma_semaphore, #tpu.memory_space<semaphore_mem>>
      %dma_start3A = tpu.memref_slice %arg3[%mul3A_2] : memref<320000xi32, #tpu.memory_space<hbm>> -> memref<10000xi32, #tpu.memory_space<hbm>>
      %dma_start3A_17 = tpu.memref_slice %arg3[%mul3A_2] : memref<320000xi32, #tpu.memory_space<hbm>> -> memref<10000xi32, #tpu.memory_space<hbm>>
      tpu.enqueue_dma source(%dma_start3A_17 : memref<10000xi32, #tpu.memory_space<hbm>>) target(%arg8 : memref<10000xi32, #tpu.memory_space<vmem>>) target_semaphore(%run_scoped3A : memref<!tpu.dma_semaphore, #tpu.memory_space<semaphore_mem>>)
      %dma_wait3A = tpu.memref_slice %arg3[%mul3A_2] : memref<320000xi32, #tpu.memory_space<hbm>> -> memref<10000xi32, #tpu.memory_space<hbm>>
      %dma_wait3A_18 = tpu.memref_slice %arg3[%mul3A_2] : memref<320000xi32, #tpu.memory_space<hbm>> -> memref<10000xi32, #tpu.memory_space<hbm>>
      tpu.wait_dma2 semaphore(%run_scoped3A : memref<!tpu.dma_semaphore, #tpu.memory_space<semaphore_mem>>) src(%dma_wait3A_18 : memref<10000xi32, #tpu.memory_space<hbm>>) dst(%arg8 : memref<10000xi32, #tpu.memory_space<vmem>>)
      tpu.yield
    }) : () -> ()
    "tpu.region"() ({
      %run_scoped3A = tpu.sem_alloc : memref<!tpu.dma_semaphore, #tpu.memory_space<semaphore_mem>>
      %dma_start3A = tpu.memref_slice %arg5[%mul3A_2] : memref<320000xf32, #tpu.memory_space<hbm>> -> memref<10000xf32, #tpu.memory_space<hbm>>
      %dma_start3A_17 = tpu.memref_slice %arg5[%mul3A_2] : memref<320000xf32, #tpu.memory_space<hbm>> -> memref<10000xf32, #tpu.memory_space<hbm>>
      tpu.enqueue_dma source(%dma_start3A_17 : memref<10000xf32, #tpu.memory_space<hbm>>) target(%arg9 : memref<10000xf32, #tpu.memory_space<vmem>>) target_semaphore(%run_scoped3A : memref<!tpu.dma_semaphore, #tpu.memory_space<semaphore_mem>>)
      %dma_wait3A = tpu.memref_slice %arg5[%mul3A_2] : memref<320000xf32, #tpu.memory_space<hbm>> -> memref<10000xf32, #tpu.memory_space<hbm>>
      %dma_wait3A_18 = tpu.memref_slice %arg5[%mul3A_2] : memref<320000xf32, #tpu.memory_space<hbm>> -> memref<10000xf32, #tpu.memory_space<hbm>>
      tpu.wait_dma2 semaphore(%run_scoped3A : memref<!tpu.dma_semaphore, #tpu.memory_space<semaphore_mem>>) src(%dma_wait3A_18 : memref<10000xf32, #tpu.memory_space<hbm>>) dst(%arg9 : memref<10000xf32, #tpu.memory_space<vmem>>)
      tpu.yield
    }) : () -> ()
    %barrier3A = arith.constant 0 : index
    tpu.barrier barrier_id(%barrier3A)
    %scan3A = arith.constant 0 : i32
    %scan3A_7 = arith.constant 0 : i32
    %scan3A_8 = arith.constant 125 : i32
    %scan3A_9 = arith.addi %scan3A_7, %scan3A_8 : i32
    %scan3A_10 = arith.constant 1 : i32
    scf.for %scan3A_17 = %scan3A_7 to %scan3A_9 step %scan3A_10  : i32 {
      %mul3A_18 = arith.constant 80 : i32
      %mul3A_19 = arith.muli %scan3A_17, %mul3A_18 : i32
      %dma_start3A = tpu.memref_slice %arg8[%mul3A_19] : memref<10000xi32, #tpu.memory_space<vmem>> -> memref<80xi32, #tpu.memory_space<vmem>>
      %dma_start3A_20 = arith.constant 0 : i32
      %dma_start3A_21 = arith.constant 0 : i32
      %dma_start3A_22 = tpu.memref_slice %arg2[%dma_start3A_20, %dma_start3A_21] : memref<10000x128xf32, #tpu.memory_space<hbm>> -> memref<10000x128xf32, #tpu.memory_space<hbm>>
      tpu.enqueue_indirect_dma source(%dma_start3A_22 : memref<10000x128xf32, #tpu.memory_space<hbm>>) target(%arg11 : memref<80x128xf32, #tpu.memory_space<vmem>>) offsets(%dma_start3A : memref<80xi32, #tpu.memory_space<vmem>>) semaphore(%arg13 : memref<!tpu.dma_semaphore, #tpu.memory_space<semaphore_mem>>)
      %add3A_23 = arith.addi %mul3A_2, %mul3A_19 : i32
      "tpu.region"() ({
        %run_scoped3A = tpu.sem_alloc : memref<!tpu.dma_semaphore, #tpu.memory_space<semaphore_mem>>
        %dma_start3A_33 = tpu.memref_slice %arg4[%add3A_23] : memref<320000xi32, #tpu.memory_space<hbm>> -> memref<80xi32, #tpu.memory_space<hbm>>
        %dma_start3A_34 = tpu.memref_slice %arg4[%add3A_23] : memref<320000xi32, #tpu.memory_space<hbm>> -> memref<80xi32, #tpu.memory_space<hbm>>
        tpu.enqueue_dma source(%dma_start3A_34 : memref<80xi32, #tpu.memory_space<hbm>>) target(%arg10 : memref<80xi32, #tpu.memory_space<vmem>>) target_semaphore(%run_scoped3A : memref<!tpu.dma_semaphore, #tpu.memory_space<semaphore_mem>>)
        %dma_wait3A_35 = tpu.memref_slice %arg4[%add3A_23] : memref<320000xi32, #tpu.memory_space<hbm>> -> memref<80xi32, #tpu.memory_space<hbm>>
        %dma_wait3A_36 = tpu.memref_slice %arg4[%add3A_23] : memref<320000xi32, #tpu.memory_space<hbm>> -> memref<80xi32, #tpu.memory_space<hbm>>
        tpu.wait_dma2 semaphore(%run_scoped3A : memref<!tpu.dma_semaphore, #tpu.memory_space<semaphore_mem>>) src(%dma_wait3A_36 : memref<80xi32, #tpu.memory_space<hbm>>) dst(%arg10 : memref<80xi32, #tpu.memory_space<vmem>>)
        tpu.yield
      }) : () -> ()
      %dma_wait3A = tpu.memref_slice %arg8[%mul3A_19] : memref<10000xi32, #tpu.memory_space<vmem>> -> memref<80xi32, #tpu.memory_space<vmem>>
      %dma_wait3A_24 = arith.constant 0 : i32
      %dma_wait3A_25 = arith.constant 0 : i32
      %dma_wait3A_26 = tpu.memref_slice %arg2[%dma_wait3A_24, %dma_wait3A_25] : memref<10000x128xf32, #tpu.memory_space<hbm>> -> memref<10000x128xf32, #tpu.memory_space<hbm>>
      tpu.wait_indirect_dma semaphore(%arg13 : memref<!tpu.dma_semaphore, #tpu.memory_space<semaphore_mem>>) src(%dma_wait3A_26 : memref<10000x128xf32, #tpu.memory_space<hbm>>) dst(%arg11 : memref<80x128xf32, #tpu.memory_space<vmem>>)
      %scan3A_27 = arith.constant 0 : i32
      %scan3A_28 = arith.constant 0 : i32
      %scan3A_29 = arith.constant 80 : i32
      %scan3A_30 = arith.addi %scan3A_28, %scan3A_29 : i32
      %scan3A_31 = arith.constant 1 : i32
      scf.for %scan3A_33 = %scan3A_28 to %scan3A_30 step %scan3A_31  : i32 {
        %add3A_34 = arith.addi %mul3A_19, %scan3A_33 : i32
        %broadcast_in_dim3A = vector.broadcast %add3A_34 : i32 to vector<16xi32>
        %gather3A = tpu.vector_load_idx %arg9[%broadcast_in_dim3A] : memref<10000xf32, #tpu.memory_space<vmem>>[vector<16xi32>], vector<16xf32>,
        %get3A = arith.index_cast %scan3A_33 : i32 to index
        %get3A_35 = arith.constant 0 : index
        %get3A_36 = tpu.vector_load %arg11[%get3A, %get3A_35] {strides = array<i32>} : memref<80x128xf32, #tpu.memory_space<vmem>>, vector<16xf32>,
        %mul3A_37 = arith.mulf %get3A_36, %gather3A : vector<16xf32>
        %swap3A = arith.index_cast %scan3A_33 : i32 to index
        %swap3A_38 = arith.constant 0 : index
        %swap3A_39 = tpu.vector_load %arg11[%swap3A, %swap3A_38] {strides = array<i32>} : memref<80x128xf32, #tpu.memory_space<vmem>>, vector<16xf32>,
        tpu.vector_store %arg11[%swap3A, %swap3A_38], %mul3A_37 {strides = array<i32>} : memref<80x128xf32, #tpu.memory_space<vmem>>, vector<16xf32>,
        %get3A_40 = arith.index_cast %scan3A_33 : i32 to index
        %get3A_41 = arith.constant 16 : index
        %get3A_42 = tpu.vector_load %arg11[%get3A_40, %get3A_41] {strides = array<i32>} : memref<80x128xf32, #tpu.memory_space<vmem>>, vector<16xf32>,
        %mul3A_43 = arith.mulf %get3A_42, %gather3A : vector<16xf32>
        %swap3A_44 = arith.index_cast %scan3A_33 : i32 to index
        %swap3A_45 = arith.constant 16 : index
        %swap3A_46 = tpu.vector_load %arg11[%swap3A_44, %swap3A_45] {strides = array<i32>} : memref<80x128xf32, #tpu.memory_space<vmem>>, vector<16xf32>,
        tpu.vector_store %arg11[%swap3A_44, %swap3A_45], %mul3A_43 {strides = array<i32>} : memref<80x128xf32, #tpu.memory_space<vmem>>, vector<16xf32>,
        %get3A_47 = arith.index_cast %scan3A_33 : i32 to index
        %get3A_48 = arith.constant 32 : index
        %get3A_49 = tpu.vector_load %arg11[%get3A_47, %get3A_48] {strides = array<i32>} : memref<80x128xf32, #tpu.memory_space<vmem>>, vector<16xf32>,
        %mul3A_50 = arith.mulf %get3A_49, %gather3A : vector<16xf32>
        %swap3A_51 = arith.index_cast %scan3A_33 : i32 to index
        %swap3A_52 = arith.constant 32 : index
        %swap3A_53 = tpu.vector_load %arg11[%swap3A_51, %swap3A_52] {strides = array<i32>} : memref<80x128xf32, #tpu.memory_space<vmem>>, vector<16xf32>,
        tpu.vector_store %arg11[%swap3A_51, %swap3A_52], %mul3A_50 {strides = array<i32>} : memref<80x128xf32, #tpu.memory_space<vmem>>, vector<16xf32>,
        %get3A_54 = arith.index_cast %scan3A_33 : i32 to index
        %get3A_55 = arith.constant 48 : index
        %get3A_56 = tpu.vector_load %arg11[%get3A_54, %get3A_55] {strides = array<i32>} : memref<80x128xf32, #tpu.memory_space<vmem>>, vector<16xf32>,
        %mul3A_57 = arith.mulf %get3A_56, %gather3A : vector<16xf32>
        %swap3A_58 = arith.index_cast %scan3A_33 : i32 to index
        %swap3A_59 = arith.constant 48 : index
        %swap3A_60 = tpu.vector_load %arg11[%swap3A_58, %swap3A_59] {strides = array<i32>} : memref<80x128xf32, #tpu.memory_space<vmem>>, vector<16xf32>,
        tpu.vector_store %arg11[%swap3A_58, %swap3A_59], %mul3A_57 {strides = array<i32>} : memref<80x128xf32, #tpu.memory_space<vmem>>, vector<16xf32>,
        %get3A_61 = arith.index_cast %scan3A_33 : i32 to index
        %get3A_62 = arith.constant 64 : index
        %get3A_63 = tpu.vector_load %arg11[%get3A_61, %get3A_62] {strides = array<i32>} : memref<80x128xf32, #tpu.memory_space<vmem>>, vector<16xf32>,
        %mul3A_64 = arith.mulf %get3A_63, %gather3A : vector<16xf32>
        %swap3A_65 = arith.index_cast %scan3A_33 : i32 to index
        %swap3A_66 = arith.constant 64 : index
        %swap3A_67 = tpu.vector_load %arg11[%swap3A_65, %swap3A_66] {strides = array<i32>} : memref<80x128xf32, #tpu.memory_space<vmem>>, vector<16xf32>,
        tpu.vector_store %arg11[%swap3A_65, %swap3A_66], %mul3A_64 {strides = array<i32>} : memref<80x128xf32, #tpu.memory_space<vmem>>, vector<16xf32>,
        %get3A_68 = arith.index_cast %scan3A_33 : i32 to index
        %get3A_69 = arith.constant 80 : index
        %get3A_70 = tpu.vector_load %arg11[%get3A_68, %get3A_69] {strides = array<i32>} : memref<80x128xf32, #tpu.memory_space<vmem>>, vector<16xf32>,
        %mul3A_71 = arith.mulf %get3A_70, %gather3A : vector<16xf32>
        %swap3A_72 = arith.index_cast %scan3A_33 : i32 to index
        %swap3A_73 = arith.constant 80 : index
        %swap3A_74 = tpu.vector_load %arg11[%swap3A_72, %swap3A_73] {strides = array<i32>} : memref<80x128xf32, #tpu.memory_space<vmem>>, vector<16xf32>,
        tpu.vector_store %arg11[%swap3A_72, %swap3A_73], %mul3A_71 {strides = array<i32>} : memref<80x128xf32, #tpu.memory_space<vmem>>, vector<16xf32>,
        %get3A_75 = arith.index_cast %scan3A_33 : i32 to index
        %get3A_76 = arith.constant 96 : index
        %get3A_77 = tpu.vector_load %arg11[%get3A_75, %get3A_76] {strides = array<i32>} : memref<80x128xf32, #tpu.memory_space<vmem>>, vector<16xf32>,
        %mul3A_78 = arith.mulf %get3A_77, %gather3A : vector<16xf32>
        %swap3A_79 = arith.index_cast %scan3A_33 : i32 to index
        %swap3A_80 = arith.constant 96 : index
        %swap3A_81 = tpu.vector_load %arg11[%swap3A_79, %swap3A_80] {strides = array<i32>} : memref<80x128xf32, #tpu.memory_space<vmem>>, vector<16xf32>,
        tpu.vector_store %arg11[%swap3A_79, %swap3A_80], %mul3A_78 {strides = array<i32>} : memref<80x128xf32, #tpu.memory_space<vmem>>, vector<16xf32>,
        %get3A_82 = arith.index_cast %scan3A_33 : i32 to index
        %get3A_83 = arith.constant 112 : index
        %get3A_84 = tpu.vector_load %arg11[%get3A_82, %get3A_83] {strides = array<i32>} : memref<80x128xf32, #tpu.memory_space<vmem>>, vector<16xf32>,
        %mul3A_85 = arith.mulf %get3A_84, %gather3A : vector<16xf32>
        %swap3A_86 = arith.index_cast %scan3A_33 : i32 to index
        %swap3A_87 = arith.constant 112 : index
        %swap3A_88 = tpu.vector_load %arg11[%swap3A_86, %swap3A_87] {strides = array<i32>} : memref<80x128xf32, #tpu.memory_space<vmem>>, vector<16xf32>,
        tpu.vector_store %arg11[%swap3A_86, %swap3A_87], %mul3A_85 {strides = array<i32>} : memref<80x128xf32, #tpu.memory_space<vmem>>, vector<16xf32>,
      }
      %scan3A_32 = arith.constant 80 : i32
      "tpu.region"() ({
        %run_scoped3A = tpu.sem_alloc : memref<!tpu.dma_semaphore, #tpu.memory_space<semaphore_mem>>
        %dma_start3A_33 = arith.constant 0 : i32
        %dma_start3A_34 = arith.constant 0 : i32
        %dma_start3A_35 = tpu.memref_slice %arg12[%dma_start3A_33, %dma_start3A_34] : memref<10240x128xf32, #tpu.memory_space<vmem_shared>> -> memref<10240x128xf32, #tpu.memory_space<vmem_shared>>
        tpu.enqueue_indirect_dma source(%arg11 : memref<80x128xf32, #tpu.memory_space<vmem>>) target(%dma_start3A_35 : memref<10240x128xf32, #tpu.memory_space<vmem_shared>>) offsets(%arg10 : memref<80xi32, #tpu.memory_space<vmem>>) semaphore(%run_scoped3A : memref<!tpu.dma_semaphore, #tpu.memory_space<semaphore_mem>>) {add = true}
        %dma_wait3A_36 = arith.constant 0 : i32
        %dma_wait3A_37 = arith.constant 0 : i32
        %dma_wait3A_38 = tpu.memref_slice %arg12[%dma_wait3A_36, %dma_wait3A_37] : memref<10240x128xf32, #tpu.memory_space<vmem_shared>> -> memref<10240x128xf32, #tpu.memory_space<vmem_shared>>
        tpu.wait_indirect_dma semaphore(%run_scoped3A : memref<!tpu.dma_semaphore, #tpu.memory_space<semaphore_mem>>) src(%arg11 : memref<80x128xf32, #tpu.memory_space<vmem>>) dst(%dma_wait3A_38 : memref<10240x128xf32, #tpu.memory_space<vmem_shared>>)
        tpu.yield
      }) : () -> ()
    }
    %scan3A_11 = arith.constant 125 : i32
    %barrier3A_12 = arith.constant 0 : index
    tpu.barrier barrier_id(%barrier3A_12)
    %mul3A_13 = arith.constant 640 : i32
    %mul3A_14 = arith.muli %arg1, %mul3A_13 : i32
    %mul3A_15 = arith.constant 640 : i32
    %mul3A_16 = arith.muli %arg1, %mul3A_15 : i32
    "tpu.region"() ({
      %run_scoped3A = tpu.sem_alloc : memref<!tpu.dma_semaphore, #tpu.memory_space<semaphore_mem>>
      %dma_start3A = arith.constant 0 : i32
      %dma_start3A_17 = tpu.memref_slice %arg7[%arg0, %mul3A_16, %dma_start3A] : memref<2x10240x128xf32, #tpu.memory_space<hbm>> -> memref<1x640x128xf32, #tpu.memory_space<hbm>>
      %dma_start3A_18 = tpu.memref_squeeze %dma_start3A_17 : memref<1x640x128xf32, #tpu.memory_space<hbm>> -> memref<640x128xf32, #tpu.memory_space<hbm>>
      %dma_start3A_19 = arith.constant 0 : i32
      %dma_start3A_20 = tpu.memref_slice %arg12[%mul3A_14, %dma_start3A_19] : memref<10240x128xf32, #tpu.memory_space<vmem_shared>> -> memref<640x128xf32, #tpu.memory_space<vmem_shared>>
      tpu.enqueue_dma source(%dma_start3A_20 : memref<640x128xf32, #tpu.memory_space<vmem_shared>>) target(%dma_start3A_18 : memref<640x128xf32, #tpu.memory_space<hbm>>) target_semaphore(%run_scoped3A : memref<!tpu.dma_semaphore, #tpu.memory_space<semaphore_mem>>)
      %dma_wait3A = arith.constant 0 : i32
      %dma_wait3A_21 = tpu.memref_slice %arg7[%arg0, %mul3A_16, %dma_wait3A] : memref<2x10240x128xf32, #tpu.memory_space<hbm>> -> memref<1x640x128xf32, #tpu.memory_space<hbm>>
      %dma_wait3A_22 = tpu.memref_squeeze %dma_wait3A_21 : memref<1x640x128xf32, #tpu.memory_space<hbm>> -> memref<640x128xf32, #tpu.memory_space<hbm>>
      %dma_wait3A_23 = arith.constant 0 : i32
      %dma_wait3A_24 = tpu.memref_slice %arg12[%mul3A_14, %dma_wait3A_23] : memref<10240x128xf32, #tpu.memory_space<vmem_shared>> -> memref<640x128xf32, #tpu.memory_space<vmem_shared>>
      tpu.wait_dma2 semaphore(%run_scoped3A : memref<!tpu.dma_semaphore, #tpu.memory_space<semaphore_mem>>) src(%dma_wait3A_24 : memref<640x128xf32, #tpu.memory_space<vmem_shared>>) dst(%dma_wait3A_22 : memref<640x128xf32, #tpu.memory_space<hbm>>)
      tpu.yield
    }) : () -> ()
    return
  }
}

#map = affine_map<(d0, d1) -> (0, 0)>
#map1 = affine_map<(d0, d1) -> (0)>
#map2 = affine_map<(d0, d1) -> (0, 0, 0)>
module attributes {stable_mosaic.version = 14 : i64} {
  func.func @_spmm_entry(%arg0: i32, %arg1: i32, %arg2: memref<10000x128xf32, #tpu.memory_space<hbm>>, %arg3: memref<320000xi32, #tpu.memory_space<hbm>>, %arg4: memref<320000xi32, #tpu.memory_space<hbm>>, %arg5: memref<320000xf32, #tpu.memory_space<hbm>>, %arg6: memref<10240x128xf32, #tpu.memory_space<hbm>>, %arg7: memref<2x10240x128xf32, #tpu.memory_space<hbm>>, %arg8: memref<10000xi32, #tpu.memory_space<vmem>>, %arg9: memref<10000xf32, #tpu.memory_space<vmem>>, %arg10: memref<80xi32, #tpu.memory_space<vmem>>, %arg11: memref<80x128xf32, #tpu.memory_space<vmem>>, %arg12: memref<10240x128xf32, #tpu.memory_space<vmem_shared>>, %arg13: memref<!tpu.dma_semaphore, #tpu.memory_space<semaphore_mem>>) attributes {dimension_semantics = [#tpu.dimension_semantics<core_parallel>, #tpu.dimension_semantics<subcore_parallel>], iteration_bounds = array<i64: 2, 16>, scalar_prefetch = 0 : i64, scratch_operands = 6 : i64, tpu.core_type = #tpu.core_type<sc_vector_subcore>, window_params = [{transform_indices = #map}, {transform_indices = #map1}, {transform_indices = #map1}, {transform_indices = #map1}, {transform_indices = #map}, {transform_indices = #map2}]} {
    %mul3A = arith.constant 16 : i32
    %mul3A_0 = arith.muli %arg0, %mul3A : i32
    %add3A = arith.addi %mul3A_0, %arg1 : i32
    %mul3A_1 = arith.constant 10000 : i32
    %mul3A_2 = arith.muli %add3A, %mul3A_1 : i32
    %mul3A_3 = arith.constant 640 : i32
    %mul3A_4 = arith.muli %arg1, %mul3A_3 : i32
    %mul3A_5 = arith.constant 640 : i32
    %mul3A_6 = arith.muli %arg1, %mul3A_5 : i32
    "tpu.region"() ({
      %run_scoped3A = tpu.sem_alloc : memref<!tpu.dma_semaphore, #tpu.memory_space<semaphore_mem>>
      %dma_start3A = arith.constant 0 : i32
      %dma_start3A_17 = tpu.memref_slice %arg12[%mul3A_6, %dma_start3A] : memref<10240x128xf32, #tpu.memory_space<vmem_shared>> -> memref<640x128xf32, #tpu.memory_space<vmem_shared>>
      %dma_start3A_18 = arith.constant 0 : i32
      %dma_start3A_19 = tpu.memref_slice %arg6[%mul3A_4, %dma_start3A_18] : memref<10240x128xf32, #tpu.memory_space<hbm>> -> memref<640x128xf32, #tpu.memory_space<hbm>>
      tpu.enqueue_dma source(%dma_start3A_19 : memref<640x128xf32, #tpu.memory_space<hbm>>) target(%dma_start3A_17 : memref<640x128xf32, #tpu.memory_space<vmem_shared>>) target_semaphore(%run_scoped3A : memref<!tpu.dma_semaphore, #tpu.memory_space<semaphore_mem>>)
      %dma_wait3A = arith.constant 0 : i32
      %dma_wait3A_20 = tpu.memref_slice %arg12[%mul3A_6, %dma_wait3A] : memref<10240x128xf32, #tpu.memory_space<vmem_shared>> -> memref<640x128xf32, #tpu.memory_space<vmem_shared>>
      %dma_wait3A_21 = arith.constant 0 : i32
      %dma_wait3A_22 = tpu.memref_slice %arg6[%mul3A_4, %dma_wait3A_21] : memref<10240x128xf32, #tpu.memory_space<hbm>> -> memref<640x128xf32, #tpu.memory_space<hbm>>
      tpu.wait_dma2 semaphore(%run_scoped3A : memref<!tpu.dma_semaphore, #tpu.memory_space<semaphore_mem>>) src(%dma_wait3A_22 : memref<640x128xf32, #tpu.memory_space<hbm>>) dst(%dma_wait3A_20 : memref<640x128xf32, #tpu.memory_space<vmem_shared>>)
      tpu.yield
    }) : () -> ()
    "tpu.region"() ({
      %run_scoped3A = tpu.sem_alloc : memref<!tpu.dma_semaphore, #tpu.memory_space<semaphore_mem>>
      %dma_start3A = tpu.memref_slice %arg3[%mul3A_2] : memref<320000xi32, #tpu.memory_space<hbm>> -> memref<10000xi32, #tpu.memory_space<hbm>>
      %dma_start3A_17 = tpu.memref_slice %arg3[%mul3A_2] : memref<320000xi32, #tpu.memory_space<hbm>> -> memref<10000xi32, #tpu.memory_space<hbm>>
      tpu.enqueue_dma source(%dma_start3A_17 : memref<10000xi32, #tpu.memory_space<hbm>>) target(%arg8 : memref<10000xi32, #tpu.memory_space<vmem>>) target_semaphore(%run_scoped3A : memref<!tpu.dma_semaphore, #tpu.memory_space<semaphore_mem>>)
      %dma_wait3A = tpu.memref_slice %arg3[%mul3A_2] : memref<320000xi32, #tpu.memory_space<hbm>> -> memref<10000xi32, #tpu.memory_space<hbm>>
      %dma_wait3A_18 = tpu.memref_slice %arg3[%mul3A_2] : memref<320000xi32, #tpu.memory_space<hbm>> -> memref<10000xi32, #tpu.memory_space<hbm>>
      tpu.wait_dma2 semaphore(%run_scoped3A : memref<!tpu.dma_semaphore, #tpu.memory_space<semaphore_mem>>) src(%dma_wait3A_18 : memref<10000xi32, #tpu.memory_space<hbm>>) dst(%arg8 : memref<10000xi32, #tpu.memory_space<vmem>>)
      tpu.yield
    }) : () -> ()
    "tpu.region"() ({
      %run_scoped3A = tpu.sem_alloc : memref<!tpu.dma_semaphore, #tpu.memory_space<semaphore_mem>>
      %dma_start3A = tpu.memref_slice %arg5[%mul3A_2] : memref<320000xf32, #tpu.memory_space<hbm>> -> memref<10000xf32, #tpu.memory_space<hbm>>
      %dma_start3A_17 = tpu.memref_slice %arg5[%mul3A_2] : memref<320000xf32, #tpu.memory_space<hbm>> -> memref<10000xf32, #tpu.memory_space<hbm>>
      tpu.enqueue_dma source(%dma_start3A_17 : memref<10000xf32, #tpu.memory_space<hbm>>) target(%arg9 : memref<10000xf32, #tpu.memory_space<vmem>>) target_semaphore(%run_scoped3A : memref<!tpu.dma_semaphore, #tpu.memory_space<semaphore_mem>>)
      %dma_wait3A = tpu.memref_slice %arg5[%mul3A_2] : memref<320000xf32, #tpu.memory_space<hbm>> -> memref<10000xf32, #tpu.memory_space<hbm>>
      %dma_wait3A_18 = tpu.memref_slice %arg5[%mul3A_2] : memref<320000xf32, #tpu.memory_space<hbm>> -> memref<10000xf32, #tpu.memory_space<hbm>>
      tpu.wait_dma2 semaphore(%run_scoped3A : memref<!tpu.dma_semaphore, #tpu.memory_space<semaphore_mem>>) src(%dma_wait3A_18 : memref<10000xf32, #tpu.memory_space<hbm>>) dst(%arg9 : memref<10000xf32, #tpu.memory_space<vmem>>)
      tpu.yield
    }) : () -> ()
    %barrier3A = arith.constant 0 : index
    tpu.barrier barrier_id(%barrier3A)
    %scan3A = arith.constant 0 : i32
    %scan3A_7 = arith.constant 0 : i32
    %scan3A_8 = arith.constant 125 : i32
    %scan3A_9 = arith.addi %scan3A_7, %scan3A_8 : i32
    %scan3A_10 = arith.constant 1 : i32
    scf.for %scan3A_17 = %scan3A_7 to %scan3A_9 step %scan3A_10  : i32 {
      %mul3A_18 = arith.constant 80 : i32
      %mul3A_19 = arith.muli %scan3A_17, %mul3A_18 : i32
      %dma_start3A = tpu.memref_slice %arg8[%mul3A_19] : memref<10000xi32, #tpu.memory_space<vmem>> -> memref<80xi32, #tpu.memory_space<vmem>>
      %dma_start3A_20 = arith.constant 0 : i32
      %dma_start3A_21 = arith.constant 0 : i32
      %dma_start3A_22 = tpu.memref_slice %arg2[%dma_start3A_20, %dma_start3A_21] : memref<10000x128xf32, #tpu.memory_space<hbm>> -> memref<10000x128xf32, #tpu.memory_space<hbm>>
      tpu.enqueue_indirect_dma source(%dma_start3A_22 : memref<10000x128xf32, #tpu.memory_space<hbm>>) target(%arg11 : memref<80x128xf32, #tpu.memory_space<vmem>>) offsets(%dma_start3A : memref<80xi32, #tpu.memory_space<vmem>>) semaphore(%arg13 : memref<!tpu.dma_semaphore, #tpu.memory_space<semaphore_mem>>)
      %add3A_23 = arith.addi %mul3A_2, %mul3A_19 : i32
      "tpu.region"() ({
        %run_scoped3A = tpu.sem_alloc : memref<!tpu.dma_semaphore, #tpu.memory_space<semaphore_mem>>
        %dma_start3A_33 = tpu.memref_slice %arg4[%add3A_23] : memref<320000xi32, #tpu.memory_space<hbm>> -> memref<80xi32, #tpu.memory_space<hbm>>
        %dma_start3A_34 = tpu.memref_slice %arg4[%add3A_23] : memref<320000xi32, #tpu.memory_space<hbm>> -> memref<80xi32, #tpu.memory_space<hbm>>
        tpu.enqueue_dma source(%dma_start3A_34 : memref<80xi32, #tpu.memory_space<hbm>>) target(%arg10 : memref<80xi32, #tpu.memory_space<vmem>>) target_semaphore(%run_scoped3A : memref<!tpu.dma_semaphore, #tpu.memory_space<semaphore_mem>>)
        %dma_wait3A_35 = tpu.memref_slice %arg4[%add3A_23] : memref<320000xi32, #tpu.memory_space<hbm>> -> memref<80xi32, #tpu.memory_space<hbm>>
        %dma_wait3A_36 = tpu.memref_slice %arg4[%add3A_23] : memref<320000xi32, #tpu.memory_space<hbm>> -> memref<80xi32, #tpu.memory_space<hbm>>
        tpu.wait_dma2 semaphore(%run_scoped3A : memref<!tpu.dma_semaphore, #tpu.memory_space<semaphore_mem>>) src(%dma_wait3A_36 : memref<80xi32, #tpu.memory_space<hbm>>) dst(%arg10 : memref<80xi32, #tpu.memory_space<vmem>>)
        tpu.yield
      }) : () -> ()
      %dma_wait3A = tpu.memref_slice %arg8[%mul3A_19] : memref<10000xi32, #tpu.memory_space<vmem>> -> memref<80xi32, #tpu.memory_space<vmem>>
      %dma_wait3A_24 = arith.constant 0 : i32
      %dma_wait3A_25 = arith.constant 0 : i32
      %dma_wait3A_26 = tpu.memref_slice %arg2[%dma_wait3A_24, %dma_wait3A_25] : memref<10000x128xf32, #tpu.memory_space<hbm>> -> memref<10000x128xf32, #tpu.memory_space<hbm>>
      tpu.wait_indirect_dma semaphore(%arg13 : memref<!tpu.dma_semaphore, #tpu.memory_space<semaphore_mem>>) src(%dma_wait3A_26 : memref<10000x128xf32, #tpu.memory_space<hbm>>) dst(%arg11 : memref<80x128xf32, #tpu.memory_space<vmem>>)
      %scan3A_27 = arith.constant 0 : i32
      %scan3A_28 = arith.constant 0 : i32
      %scan3A_29 = arith.constant 80 : i32
      %scan3A_30 = arith.addi %scan3A_28, %scan3A_29 : i32
      %scan3A_31 = arith.constant 1 : i32
      scf.for %scan3A_33 = %scan3A_28 to %scan3A_30 step %scan3A_31  : i32 {
        %add3A_34 = arith.addi %mul3A_19, %scan3A_33 : i32
        %broadcast_in_dim3A = vector.broadcast %add3A_34 : i32 to vector<16xi32>
        %gather3A = tpu.vector_load_idx %arg9[%broadcast_in_dim3A] : memref<10000xf32, #tpu.memory_space<vmem>>[vector<16xi32>], vector<16xf32>,
        %get3A = arith.index_cast %scan3A_33 : i32 to index
        %get3A_35 = arith.constant 0 : index
        %get3A_36 = tpu.vector_load %arg11[%get3A, %get3A_35] {strides = array<i32>} : memref<80x128xf32, #tpu.memory_space<vmem>>, vector<16xf32>,
        %mul3A_37 = arith.mulf %get3A_36, %gather3A : vector<16xf32>
        %swap3A = arith.index_cast %scan3A_33 : i32 to index
        %swap3A_38 = arith.constant 0 : index
        %swap3A_39 = tpu.vector_load %arg11[%swap3A, %swap3A_38] {strides = array<i32>} : memref<80x128xf32, #tpu.memory_space<vmem>>, vector<16xf32>,
        tpu.vector_store %arg11[%swap3A, %swap3A_38], %mul3A_37 {strides = array<i32>} : memref<80x128xf32, #tpu.memory_space<vmem>>, vector<16xf32>,
        %get3A_40 = arith.index_cast %scan3A_33 : i32 to index
        %get3A_41 = arith.constant 16 : index
        %get3A_42 = tpu.vector_load %arg11[%get3A_40, %get3A_41] {strides = array<i32>} : memref<80x128xf32, #tpu.memory_space<vmem>>, vector<16xf32>,
        %mul3A_43 = arith.mulf %get3A_42, %gather3A : vector<16xf32>
        %swap3A_44 = arith.index_cast %scan3A_33 : i32 to index
        %swap3A_45 = arith.constant 16 : index
        %swap3A_46 = tpu.vector_load %arg11[%swap3A_44, %swap3A_45] {strides = array<i32>} : memref<80x128xf32, #tpu.memory_space<vmem>>, vector<16xf32>,
        tpu.vector_store %arg11[%swap3A_44, %swap3A_45], %mul3A_43 {strides = array<i32>} : memref<80x128xf32, #tpu.memory_space<vmem>>, vector<16xf32>,
        %get3A_47 = arith.index_cast %scan3A_33 : i32 to index
        %get3A_48 = arith.constant 32 : index
        %get3A_49 = tpu.vector_load %arg11[%get3A_47, %get3A_48] {strides = array<i32>} : memref<80x128xf32, #tpu.memory_space<vmem>>, vector<16xf32>,
        %mul3A_50 = arith.mulf %get3A_49, %gather3A : vector<16xf32>
        %swap3A_51 = arith.index_cast %scan3A_33 : i32 to index
        %swap3A_52 = arith.constant 32 : index
        %swap3A_53 = tpu.vector_load %arg11[%swap3A_51, %swap3A_52] {strides = array<i32>} : memref<80x128xf32, #tpu.memory_space<vmem>>, vector<16xf32>,
        tpu.vector_store %arg11[%swap3A_51, %swap3A_52], %mul3A_50 {strides = array<i32>} : memref<80x128xf32, #tpu.memory_space<vmem>>, vector<16xf32>,
        %get3A_54 = arith.index_cast %scan3A_33 : i32 to index
        %get3A_55 = arith.constant 48 : index
        %get3A_56 = tpu.vector_load %arg11[%get3A_54, %get3A_55] {strides = array<i32>} : memref<80x128xf32, #tpu.memory_space<vmem>>, vector<16xf32>,
        %mul3A_57 = arith.mulf %get3A_56, %gather3A : vector<16xf32>
        %swap3A_58 = arith.index_cast %scan3A_33 : i32 to index
        %swap3A_59 = arith.constant 48 : index
        %swap3A_60 = tpu.vector_load %arg11[%swap3A_58, %swap3A_59] {strides = array<i32>} : memref<80x128xf32, #tpu.memory_space<vmem>>, vector<16xf32>,
        tpu.vector_store %arg11[%swap3A_58, %swap3A_59], %mul3A_57 {strides = array<i32>} : memref<80x128xf32, #tpu.memory_space<vmem>>, vector<16xf32>,
        %get3A_61 = arith.index_cast %scan3A_33 : i32 to index
        %get3A_62 = arith.constant 64 : index
        %get3A_63 = tpu.vector_load %arg11[%get3A_61, %get3A_62] {strides = array<i32>} : memref<80x128xf32, #tpu.memory_space<vmem>>, vector<16xf32>,
        %mul3A_64 = arith.mulf %get3A_63, %gather3A : vector<16xf32>
        %swap3A_65 = arith.index_cast %scan3A_33 : i32 to index
        %swap3A_66 = arith.constant 64 : index
        %swap3A_67 = tpu.vector_load %arg11[%swap3A_65, %swap3A_66] {strides = array<i32>} : memref<80x128xf32, #tpu.memory_space<vmem>>, vector<16xf32>,
        tpu.vector_store %arg11[%swap3A_65, %swap3A_66], %mul3A_64 {strides = array<i32>} : memref<80x128xf32, #tpu.memory_space<vmem>>, vector<16xf32>,
        %get3A_68 = arith.index_cast %scan3A_33 : i32 to index
        %get3A_69 = arith.constant 80 : index
        %get3A_70 = tpu.vector_load %arg11[%get3A_68, %get3A_69] {strides = array<i32>} : memref<80x128xf32, #tpu.memory_space<vmem>>, vector<16xf32>,
        %mul3A_71 = arith.mulf %get3A_70, %gather3A : vector<16xf32>
        %swap3A_72 = arith.index_cast %scan3A_33 : i32 to index
        %swap3A_73 = arith.constant 80 : index
        %swap3A_74 = tpu.vector_load %arg11[%swap3A_72, %swap3A_73] {strides = array<i32>} : memref<80x128xf32, #tpu.memory_space<vmem>>, vector<16xf32>,
        tpu.vector_store %arg11[%swap3A_72, %swap3A_73], %mul3A_71 {strides = array<i32>} : memref<80x128xf32, #tpu.memory_space<vmem>>, vector<16xf32>,
        %get3A_75 = arith.index_cast %scan3A_33 : i32 to index
        %get3A_76 = arith.constant 96 : index
        %get3A_77 = tpu.vector_load %arg11[%get3A_75, %get3A_76] {strides = array<i32>} : memref<80x128xf32, #tpu.memory_space<vmem>>, vector<16xf32>,
        %mul3A_78 = arith.mulf %get3A_77, %gather3A : vector<16xf32>
        %swap3A_79 = arith.index_cast %scan3A_33 : i32 to index
        %swap3A_80 = arith.constant 96 : index
        %swap3A_81 = tpu.vector_load %arg11[%swap3A_79, %swap3A_80] {strides = array<i32>} : memref<80x128xf32, #tpu.memory_space<vmem>>, vector<16xf32>,
        tpu.vector_store %arg11[%swap3A_79, %swap3A_80], %mul3A_78 {strides = array<i32>} : memref<80x128xf32, #tpu.memory_space<vmem>>, vector<16xf32>,
        %get3A_82 = arith.index_cast %scan3A_33 : i32 to index
        %get3A_83 = arith.constant 112 : index
        %get3A_84 = tpu.vector_load %arg11[%get3A_82, %get3A_83] {strides = array<i32>} : memref<80x128xf32, #tpu.memory_space<vmem>>, vector<16xf32>,
        %mul3A_85 = arith.mulf %get3A_84, %gather3A : vector<16xf32>
        %swap3A_86 = arith.index_cast %scan3A_33 : i32 to index
        %swap3A_87 = arith.constant 112 : index
        %swap3A_88 = tpu.vector_load %arg11[%swap3A_86, %swap3A_87] {strides = array<i32>} : memref<80x128xf32, #tpu.memory_space<vmem>>, vector<16xf32>,
        tpu.vector_store %arg11[%swap3A_86, %swap3A_87], %mul3A_85 {strides = array<i32>} : memref<80x128xf32, #tpu.memory_space<vmem>>, vector<16xf32>,
      }
      %scan3A_32 = arith.constant 80 : i32
      "tpu.region"() ({
        %run_scoped3A = tpu.sem_alloc : memref<!tpu.dma_semaphore, #tpu.memory_space<semaphore_mem>>
        %dma_start3A_33 = arith.constant 0 : i32
        %dma_start3A_34 = arith.constant 0 : i32
        %dma_start3A_35 = tpu.memref_slice %arg12[%dma_start3A_33, %dma_start3A_34] : memref<10240x128xf32, #tpu.memory_space<vmem_shared>> -> memref<10240x128xf32, #tpu.memory_space<vmem_shared>>
        tpu.enqueue_indirect_dma source(%arg11 : memref<80x128xf32, #tpu.memory_space<vmem>>) target(%dma_start3A_35 : memref<10240x128xf32, #tpu.memory_space<vmem_shared>>) offsets(%arg10 : memref<80xi32, #tpu.memory_space<vmem>>) semaphore(%run_scoped3A : memref<!tpu.dma_semaphore, #tpu.memory_space<semaphore_mem>>) {add = true}
        %dma_wait3A_36 = arith.constant 0 : i32
        %dma_wait3A_37 = arith.constant 0 : i32
        %dma_wait3A_38 = tpu.memref_slice %arg12[%dma_wait3A_36, %dma_wait3A_37] : memref<10240x128xf32, #tpu.memory_space<vmem_shared>> -> memref<10240x128xf32, #tpu.memory_space<vmem_shared>>
        tpu.wait_indirect_dma semaphore(%run_scoped3A : memref<!tpu.dma_semaphore, #tpu.memory_space<semaphore_mem>>) src(%arg11 : memref<80x128xf32, #tpu.memory_space<vmem>>) dst(%dma_wait3A_38 : memref<10240x128xf32, #tpu.memory_space<vmem_shared>>)
        tpu.yield
      }) : () -> ()
    }
    %scan3A_11 = arith.constant 125 : i32
    %barrier3A_12 = arith.constant 0 : index
    tpu.barrier barrier_id(%barrier3A_12)
    %mul3A_13 = arith.constant 640 : i32
    %mul3A_14 = arith.muli %arg1, %mul3A_13 : i32
    %mul3A_15 = arith.constant 640 : i32
    %mul3A_16 = arith.muli %arg1, %mul3A_15 : i32
    "tpu.region"() ({
      %run_scoped3A = tpu.sem_alloc : memref<!tpu.dma_semaphore, #tpu.memory_space<semaphore_mem>>
      %dma_start3A = arith.constant 0 : i32
      %dma_start3A_17 = tpu.memref_slice %arg7[%arg0, %mul3A_16, %dma_start3A] : memref<2x10240x128xf32, #tpu.memory_space<hbm>> -> memref<1x640x128xf32, #tpu.memory_space<hbm>>
      %dma_start3A_18 = tpu.memref_squeeze %dma_start3A_17 : memref<1x640x128xf32, #tpu.memory_space<hbm>> -> memref<640x128xf32, #tpu.memory_space<hbm>>
      %dma_start3A_19 = arith.constant 0 : i32
      %dma_start3A_20 = tpu.memref_slice %arg12[%mul3A_14, %dma_start3A_19] : memref<10240x128xf32, #tpu.memory_space<vmem_shared>> -> memref<640x128xf32, #tpu.memory_space<vmem_shared>>
      tpu.enqueue_dma source(%dma_start3A_20 : memref<640x128xf32, #tpu.memory_space<vmem_shared>>) target(%dma_start3A_18 : memref<640x128xf32, #tpu.memory_space<hbm>>) target_semaphore(%run_scoped3A : memref<!tpu.dma_semaphore, #tpu.memory_space<semaphore_mem>>)
      %dma_wait3A = arith.constant 0 : i32
      %dma_wait3A_21 = tpu.memref_slice %arg7[%arg0, %mul3A_16, %dma_wait3A] : memref<2x10240x128xf32, #tpu.memory_space<hbm>> -> memref<1x640x128xf32, #tpu.memory_space<hbm>>
      %dma_wait3A_22 = tpu.memref_squeeze %dma_wait3A_21 : memref<1x640x128xf32, #tpu.memory_space<hbm>> -> memref<640x128xf32, #tpu.memory_space<hbm>>
      %dma_wait3A_23 = arith.constant 0 : i32
      %dma_wait3A_24 = tpu.memref_slice %arg12[%mul3A_14, %dma_wait3A_23] : memref<10240x128xf32, #tpu.memory_space<vmem_shared>> -> memref<640x128xf32, #tpu.memory_space<vmem_shared>>
      tpu.wait_dma2 semaphore(%run_scoped3A : memref<!tpu.dma_semaphore, #tpu.memory_space<semaphore_mem>>) src(%dma_wait3A_24 : memref<640x128xf32, #tpu.memory_space<vmem_shared>>) dst(%dma_wait3A_22 : memref<640x128xf32, #tpu.memory_space<hbm>>)
      tpu.yield
    }) : () -> ()
    return
  }
}

module attributes {stable_mosaic.version = 14 : i64} {
  func.func @_mm_kernel(%arg0: i32, %arg1: memref<2000x128xf32, #tpu.memory_space<vmem>>, %arg2: memref<128x128xf32, #tpu.memory_space<vmem>>, %arg3: memref<2000x128xf32, #tpu.memory_space<vmem>>) attributes {dimension_semantics = [#tpu.dimension_semantics<arbitrary>], iteration_bounds = array<i64: 5>, scalar_prefetch = 0 : i64, scratch_operands = 0 : i64, tpu.core_type = #tpu.core_type<tc>, window_params = [{transform_indices = @transform_0, window_bounds = array<i64: 2000, 128>}, {pipeline_mode = #tpu.pipeline_mode<synchronous>, transform_indices = @transform_1, window_bounds = array<i64: 128, 128>}, {transform_indices = @transform_2, window_bounds = array<i64: 2000, 128>}]} {
    %get3A = arith.constant 0 : index
    %get3A_0 = arith.constant 0 : index
    %get3A_1 = vector.load %arg1[%get3A, %get3A_0] : memref<2000x128xf32, #tpu.memory_space<vmem>>, vector<2000x128xf32>
    %get3A_2 = arith.constant 0 : index
    %get3A_3 = arith.constant 0 : index
    %get3A_4 = vector.load %arg2[%get3A_2, %get3A_3] : memref<128x128xf32, #tpu.memory_space<vmem>>, vector<128x128xf32>
    %dot_general3A = arith.constant dense<0.000000e+00> : vector<2000x128xf32>
    %dot_general3A_5 = tpu.matmul %get3A_1, %get3A_4, %dot_general3A {dimension_numbers = #tpu.dot_dimension_numbers<[1], [0], [0], [1], [0, 0, 1, 1], [], []>, transpose_lhs_hint = false} : vector<2000x128xf32>, vector<128x128xf32>, vector<2000x128xf32> -> vector<2000x128xf32>
    %swap3A = arith.constant 0 : index
    %swap3A_6 = arith.constant 0 : index
    %swap3A_7 = vector.load %arg3[%swap3A, %swap3A_6] : memref<2000x128xf32, #tpu.memory_space<vmem>>, vector<2000x128xf32>
    tpu.vector_store %arg3[%swap3A, %swap3A_6], %dot_general3A_5 {strides = array<i32>} : memref<2000x128xf32, #tpu.memory_space<vmem>>, vector<2000x128xf32>,
    return
  }
  func.func @transform_0(%arg0: i32) -> (i32, i32) {
    %c0_i32 = arith.constant 0 : i32
    %c0_i32_0 = arith.constant 0 : i32
    return %arg0, %c0_i32 : i32, i32
  }
  func.func @transform_1(%arg0: i32) -> (i32, i32) {
    %c0_i32 = arith.constant 0 : i32
    %c0_i32_0 = arith.constant 0 : i32
    %c0_i32_1 = arith.constant 0 : i32
    return %c0_i32, %c0_i32_0 : i32, i32
  }
  func.func @transform_2(%arg0: i32) -> (i32, i32) {
    %c0_i32 = arith.constant 0 : i32
    %c0_i32_0 = arith.constant 0 : i32
    return %arg0, %c0_i32 : i32, i32
  }
}

module attributes {stable_mosaic.version = 14 : i64} {
  func.func @_mid_kernel(%arg0: i32, %arg1: memref<2x2000x128xf32, #tpu.memory_space<vmem>>, %arg2: memref<1x128xf32, #tpu.memory_space<vmem>>, %arg3: memref<128x128xf32, #tpu.memory_space<vmem>>, %arg4: memref<2000x128xf32, #tpu.memory_space<vmem>>) attributes {dimension_semantics = [#tpu.dimension_semantics<arbitrary>], iteration_bounds = array<i64: 5>, scalar_prefetch = 0 : i64, scratch_operands = 0 : i64, tpu.core_type = #tpu.core_type<tc>, window_params = [{transform_indices = @transform_0, window_bounds = array<i64: 2, 2000, 128>}, {pipeline_mode = #tpu.pipeline_mode<synchronous>, transform_indices = @transform_1, window_bounds = array<i64: 1, 128>}, {pipeline_mode = #tpu.pipeline_mode<synchronous>, transform_indices = @transform_2, window_bounds = array<i64: 128, 128>}, {transform_indices = @transform_3, window_bounds = array<i64: 2000, 128>}]} {
    %get3A = arith.constant 0 : index
    %get3A_0 = arith.constant 0 : index
    %get3A_1 = arith.constant 0 : index
    %get3A_2 = vector.load %arg1[%get3A, %get3A_0, %get3A_1] : memref<2x2000x128xf32, #tpu.memory_space<vmem>>, vector<1x2000x128xf32>
    %get3A_3 = vector.shape_cast %get3A_2 : vector<1x2000x128xf32> to vector<2000x128xf32>
    %get3A_4 = arith.constant 1 : index
    %get3A_5 = arith.constant 0 : index
    %get3A_6 = arith.constant 0 : index
    %get3A_7 = vector.load %arg1[%get3A_4, %get3A_5, %get3A_6] : memref<2x2000x128xf32, #tpu.memory_space<vmem>>, vector<1x2000x128xf32>
    %get3A_8 = vector.shape_cast %get3A_7 : vector<1x2000x128xf32> to vector<2000x128xf32>
    %add3A = arith.addf %get3A_3, %get3A_8 : vector<2000x128xf32>
    %get3A_9 = arith.constant 0 : index
    %get3A_10 = arith.constant 0 : index
    %get3A_11 = vector.load %arg2[%get3A_9, %get3A_10] : memref<1x128xf32, #tpu.memory_space<vmem>>, vector<1x128xf32>
    %add3A_12 = vector.broadcast %get3A_11 : vector<1x128xf32> to vector<2000x128xf32>
    %add3A_13 = arith.addf %add3A, %add3A_12 : vector<2000x128xf32>
    %max3A = arith.constant 0.000000e+00 : f32
    %max3A_14 = vector.broadcast %max3A : f32 to vector<2000x128xf32>
    %max3A_15 = arith.maximumf %add3A_13, %max3A_14 : vector<2000x128xf32>
    %get3A_16 = arith.constant 0 : index
    %get3A_17 = arith.constant 0 : index
    %get3A_18 = vector.load %arg3[%get3A_16, %get3A_17] : memref<128x128xf32, #tpu.memory_space<vmem>>, vector<128x128xf32>
    %dot_general3A = arith.constant dense<0.000000e+00> : vector<2000x128xf32>
    %dot_general3A_19 = tpu.matmul %max3A_15, %get3A_18, %dot_general3A {dimension_numbers = #tpu.dot_dimension_numbers<[1], [0], [0], [1], [0, 0, 1, 1], [], []>, transpose_lhs_hint = false} : vector<2000x128xf32>, vector<128x128xf32>, vector<2000x128xf32> -> vector<2000x128xf32>
    %swap3A = arith.constant 0 : index
    %swap3A_20 = arith.constant 0 : index
    %swap3A_21 = vector.load %arg4[%swap3A, %swap3A_20] : memref<2000x128xf32, #tpu.memory_space<vmem>>, vector<2000x128xf32>
    tpu.vector_store %arg4[%swap3A, %swap3A_20], %dot_general3A_19 {strides = array<i32>} : memref<2000x128xf32, #tpu.memory_space<vmem>>, vector<2000x128xf32>,
    return
  }
  func.func @transform_0(%arg0: i32) -> (i32, i32, i32) {
    %c0_i32 = arith.constant 0 : i32
    %c0_i32_0 = arith.constant 0 : i32
    %c0_i32_1 = arith.constant 0 : i32
    return %c0_i32, %arg0, %c0_i32_0 : i32, i32, i32
  }
  func.func @transform_1(%arg0: i32) -> (i32, i32) {
    %c0_i32 = arith.constant 0 : i32
    %c0_i32_0 = arith.constant 0 : i32
    %c0_i32_1 = arith.constant 0 : i32
    return %c0_i32, %c0_i32_0 : i32, i32
  }
  func.func @transform_2(%arg0: i32) -> (i32, i32) {
    %c0_i32 = arith.constant 0 : i32
    %c0_i32_0 = arith.constant 0 : i32
    %c0_i32_1 = arith.constant 0 : i32
    return %c0_i32, %c0_i32_0 : i32, i32
  }
  func.func @transform_3(%arg0: i32) -> (i32, i32) {
    %c0_i32 = arith.constant 0 : i32
    %c0_i32_0 = arith.constant 0 : i32
    return %arg0, %c0_i32 : i32, i32
  }
}

module attributes {stable_mosaic.version = 14 : i64} {
  func.func @_out_kernel(%arg0: i32, %arg1: memref<2x2000x128xf32, #tpu.memory_space<vmem>>, %arg2: memref<1x128xf32, #tpu.memory_space<vmem>>, %arg3: memref<2000x128xf32, #tpu.memory_space<vmem>>) attributes {dimension_semantics = [#tpu.dimension_semantics<arbitrary>], iteration_bounds = array<i64: 5>, scalar_prefetch = 0 : i64, scratch_operands = 0 : i64, tpu.core_type = #tpu.core_type<tc>, window_params = [{transform_indices = @transform_0, window_bounds = array<i64: 2, 2000, 128>}, {pipeline_mode = #tpu.pipeline_mode<synchronous>, transform_indices = @transform_1, window_bounds = array<i64: 1, 128>}, {transform_indices = @transform_2, window_bounds = array<i64: 2000, 128>}]} {
    %get3A = arith.constant 0 : index
    %get3A_0 = arith.constant 0 : index
    %get3A_1 = arith.constant 0 : index
    %get3A_2 = vector.load %arg1[%get3A, %get3A_0, %get3A_1] : memref<2x2000x128xf32, #tpu.memory_space<vmem>>, vector<1x2000x128xf32>
    %get3A_3 = vector.shape_cast %get3A_2 : vector<1x2000x128xf32> to vector<2000x128xf32>
    %get3A_4 = arith.constant 1 : index
    %get3A_5 = arith.constant 0 : index
    %get3A_6 = arith.constant 0 : index
    %get3A_7 = vector.load %arg1[%get3A_4, %get3A_5, %get3A_6] : memref<2x2000x128xf32, #tpu.memory_space<vmem>>, vector<1x2000x128xf32>
    %get3A_8 = vector.shape_cast %get3A_7 : vector<1x2000x128xf32> to vector<2000x128xf32>
    %add3A = arith.addf %get3A_3, %get3A_8 : vector<2000x128xf32>
    %get3A_9 = arith.constant 0 : index
    %get3A_10 = arith.constant 0 : index
    %get3A_11 = vector.load %arg2[%get3A_9, %get3A_10] : memref<1x128xf32, #tpu.memory_space<vmem>>, vector<1x128xf32>
    %add3A_12 = vector.broadcast %get3A_11 : vector<1x128xf32> to vector<2000x128xf32>
    %add3A_13 = arith.addf %add3A, %add3A_12 : vector<2000x128xf32>
    %max3A = arith.constant 0.000000e+00 : f32
    %max3A_14 = vector.broadcast %max3A : f32 to vector<2000x128xf32>
    %max3A_15 = arith.maximumf %add3A_13, %max3A_14 : vector<2000x128xf32>
    %swap3A = arith.constant 0 : index
    %swap3A_16 = arith.constant 0 : index
    %swap3A_17 = vector.load %arg3[%swap3A, %swap3A_16] : memref<2000x128xf32, #tpu.memory_space<vmem>>, vector<2000x128xf32>
    tpu.vector_store %arg3[%swap3A, %swap3A_16], %max3A_15 {strides = array<i32>} : memref<2000x128xf32, #tpu.memory_space<vmem>>, vector<2000x128xf32>,
    return
  }
  func.func @transform_0(%arg0: i32) -> (i32, i32, i32) {
    %c0_i32 = arith.constant 0 : i32
    %c0_i32_0 = arith.constant 0 : i32
    %c0_i32_1 = arith.constant 0 : i32
    return %c0_i32, %arg0, %c0_i32_0 : i32, i32, i32
  }
  func.func @transform_1(%arg0: i32) -> (i32, i32) {
    %c0_i32 = arith.constant 0 : i32
    %c0_i32_0 = arith.constant 0 : i32
    %c0_i32_1 = arith.constant 0 : i32
    return %c0_i32, %c0_i32_0 : i32, i32
  }
  func.func @transform_2(%arg0: i32) -> (i32, i32) {
    %c0_i32 = arith.constant 0 : i32
    %c0_i32_0 = arith.constant 0 : i32
    return %arg0, %c0_i32 : i32, i32
  }
}

</mosaic_0001>

<sc_bundles>
// kernel: kernel.10.cloned.1.call-start
scs
__scs_entry_jumppad:
0x0: {  	(pc) =	sbr.rel $0x88, $3  }
0x1: {  	(tag) =	ssettag $0x0;
	lr =	simm.s32 $0x1  }
0x2: {  	[smem:$0x3F9A] =	sst lr;
	_ =	strace $0xD0000000  }
0x3: {  	_ = 	snop  }
0x4: {  	_ = 	snop  }
0x5: {  	_ = 	snop  }
0x6: {  	_ = 	snop  }
0x7: {  	_ = 	snop  }
__scs_overlays_trampoline_lowered:
0x8: {  	[smem:$0x3FA9] =	sst s0  }
0x9: {  	[smem:$0x3FAA] =	sst s1  }
0xa: {  	[smem:$0x3FAB] =	sst s2  }
0xb: {  	[smem:$0x3FAC] =	sst s3  }
0xc: {  	[smem:$0x3FAD] =	sst s4  }
0xd: {  	[smem:$0x3FAE] =	sst s5  }
0xe: {  	[smem:$0x3FAF] =	sst s6  }
0xf: {  	[smem:$0x3FB0] =	sst s7  }
0x10: {  	[smem:$0x3FB1] =	sst s8  }
0x11: {  	[smem:$0x3FB2] =	sst s9;
	s0 =	simm.s32 @!p0 $0x0  }
0x12: {  	s1 =	sld [smem:$0x3F98];
	s0 =	simm.s32 @p0 $0x1  }
0x13: {  	[smem:$0x3FB3] =	sst s0;
	s0 =	simm.s32 @!p1 $0x0  }
0x14: {  	s2 =	sld [smem:$0x3F97];
	s0 =	simm.s32 @p1 $0x1  }
0x15: {  	[smem:$0x3FB4] =	sst s0;
	s0 =	simm.s32 @!p2 $0x0  }
0x16: {  	s3 =	sld [smem:$0x3FDB];
	s0 =	simm.s32 @p2 $0x1  }
0x17: {  	s4 =	simm.s32 $0x1BF5;
	[smem:$0x3FB6] =	sst s0  }
0x18: {  	s0 =	sld [smem:$0x3F99];
	_ =	swait.ge [sflag:s4], $0x0  }
0x19: {  	s7 =	sld [smem:$0x3F9A]  }
0x1a: {  	s8 =	sadd.s32 $0xFFFFE003, lr  }
0x1b: {  	s9 =	sadd.s32 $0xFFFFFEF7, lr;
	s5 =	simm.s32 $0xFFFFFFFF;
	p2 =	slt.u32 s8, $0xFFFFF086  }
0x1c: {  	p1 =	slt.u32 s9, $0xF7A;
	s5 =	simm.s32 @!p2 $0x0  }
0x1d: {  	s5 =	simm.s32 @p1 $0x1;
	p0 =	seq.s32 s7, s2  }
0x1e: {  	s7 =	smul.u32 @!p0 $0xF7A, s2;
	p2 =	seq.s32 @!p0 s5, $0x0  }
0x1f: {  	s9 =	smul.u32 $0xF7A, s1;
	s8 =	simm.s32 @!p0 $0x1BF5;
	p2 =	por !p2, p0  }
0x20: {  	[sflag:s8] =	ssyncset.s32 @!p0 $0xFFFFF086;
	s6 =	sadd.s32 @!p0 s3, s7;
	s7 =	simm.s32 @!p0 $0x108  }
0x21: {  	s3 =	sadd.s32 s3, s9;
	s6 =	sadd.s32 @!p0 $0x88, s6;
	s7 =	simm.s32 @p2 $0x1082  }
0x22: {  	[simem:s7], [sflag:s8] =	dma.local @!p0 [hbm:s6], $0xF7A  }
0x23: {  	s9 =	sor.u32 $0xD0000000, s2;
	s6 =	simm.s32 $0x108;
	_ =	swait.ge @!p0 [sflag:s8], $0x0  }
0x24: {  	s3 =	sadd.s32 $0x88, s3;
	s6 =	simm.s32 @!p1 $0x1082;
	[sflag:s4] =	ssyncset.s32 $0xFFFFF086  }
0x25: {  	[simem:s6], [sflag:s4] =	dma.local [hbm:s3], $0xF7A  }
0x26: {  	[smem:$0x3F9A] =	sst s1;
	(tag) =	ssettag s2;
	_ =	strace s9  }
0x27: {  	s1 =	sld [smem:$0x3FAA]  }
0x28: {  	s2 =	sld [smem:$0x3FAB]  }
0x29: {  	s4 =	sld [smem:$0x3FAD]  }
0x2a: {  	p0 =	seq.s32 s5, $0x0;
	s5 =	sld [smem:$0x3FAE]  }
0x2b: {  	s6 =	sld [smem:$0x3FAF]  }
0x2c: {  	s7 =	sld [smem:$0x3FB0]  }
0x2d: {  	s3 =	simm.s32 $0x108;
	s8 =	sld [smem:$0x3FB1]  }
0x2e: {  	s3 =	simm.s32 @!p0 $0x1082;
	s9 =	sld [smem:$0x3FB2]  }
0x2f: {  	lr =	sadd.s32 s0, s3;
	s0 =	sld [smem:$0x3FA9]  }
0x30: {  	s3 =	sld [smem:$0x3FAC]  }
0x31: {  	[smem:$0x3FB5] =	sst s10  }
0x32: {  	s10 =	sld [smem:$0x3FB3];
	_ =	sdelay $0x3  }
0x33: {  	p0 =	seq.s32 s10, $0x1;
	s10 =	sld [smem:$0x3FB5];
	_ =	sdelay $0x3  }
0x34: {  	[smem:$0x3FB5] =	sst s10  }
0x35: {  	s10 =	sld [smem:$0x3FB4];
	_ =	sdelay $0x3  }
0x36: {  	p1 =	seq.s32 s10, $0x1;
	s10 =	sld [smem:$0x3FB5];
	_ =	sdelay $0x3  }
0x37: {  	[smem:$0x3FB5] =	sst s10  }
0x38: {  	s10 =	sld [smem:$0x3FB6]  }
0x39: {  	_ = 	snop;
	(pc) =	sbr.ind lr, $3  }
0x3a: {  	_ = 	snop  }
0x3b: {  	_ = 	snop  }
0x3c: {  	p2 =	seq.s32 s10, $0x1;
	s10 =	sld [smem:$0x3FB5]  }
0x3d: {  	_ =	shalt  }
0x3e: {  	_ =	shalt  }
0x3f: {  	_ =	shalt  }
0x40: {  	_ =	shalt  }
0x41: {  	_ =	shalt  }
0x42: {  	_ =	shalt  }
0x43: {  	_ =	shalt  }
0x44: {  	_ =	shalt  }
0x45: {  	_ =	shalt  }
0x46: {  	_ =	shalt  }
0x47: {  	_ =	shalt  }
0x48: {  	_ =	shalt  }
0x49: {  	_ =	shalt  }
0x4a: {  	_ =	shalt  }
0x4b: {  	_ =	shalt  }
0x4c: {  	_ =	shalt  }
0x4d: {  	_ =	shalt  }
0x4e: {  	_ =	shalt  }
0x4f: {  	_ =	shalt  }
0x50: {  	_ =	shalt  }
0x51: {  	_ =	shalt  }
0x52: {  	_ =	shalt  }
0x53: {  	_ =	shalt  }
0x54: {  	_ =	shalt  }
0x55: {  	_ =	shalt  }
0x56: {  	_ =	shalt  }
0x57: {  	_ =	shalt  }
0x58: {  	_ =	shalt  }
0x59: {  	_ =	shalt  }
0x5a: {  	_ =	shalt  }
0x5b: {  	_ =	shalt  }
0x5c: {  	_ =	shalt  }
0x5d: {  	_ =	shalt  }
0x5e: {  	_ =	shalt  }
0x5f: {  	_ =	shalt  }
0x60: {  	_ =	shalt  }
0x61: {  	_ =	shalt  }
0x62: {  	_ =	shalt  }
0x63: {  	_ =	shalt  }
0x64: {  	_ =	shalt  }
0x65: {  	_ =	shalt  }
0x66: {  	_ =	shalt  }
0x67: {  	_ =	shalt  }
0x68: {  	_ =	shalt  }
0x69: {  	_ =	shalt  }
0x6a: {  	_ =	shalt  }
0x6b: {  	_ =	shalt  }
0x6c: {  	_ =	shalt  }
0x6d: {  	_ =	shalt  }
0x6e: {  	_ =	shalt  }
0x6f: {  	_ =	shalt  }
0x70: {  	_ =	shalt  }
0x71: {  	_ =	shalt  }
0x72: {  	_ =	shalt  }
0x73: {  	_ =	shalt  }
0x74: {  	_ =	shalt  }
0x75: {  	_ =	shalt  }
0x76: {  	_ =	shalt  }
0x77: {  	_ =	shalt  }
0x78: {  	_ =	shalt  }
0x79: {  	_ =	shalt  }
0x7a: {  	_ =	shalt  }
0x7b: {  	_ =	shalt  }
0x7c: {  	_ =	shalt  }
0x7d: {  	_ =	shalt  }
0x7e: {  	_ =	shalt  }
0x7f: {  	_ =	shalt  }
0x80: {  	_ =	shalt  }
0x81: {  	_ =	shalt  }
0x82: {  	_ =	shalt  }
0x83: {  	_ =	shalt  }
0x84: {  	_ =	shalt  }
0x85: {  	_ =	shalt  }
0x86: {  	_ =	shalt  }
0x87: {  	_ =	shalt  }
.Lfunc_end0:
.L_simem_size_0:
called_computation.1_lowered:
.L_overlay_start_0:
0x88: {  	s2 =	sld [smem:$0x3FD9]  }
0x89: {  	s3 =	sld [smem:$0x3FFE];
	_ =	sdelay $0x1  }
0x8a: {  	s1 =	srdreg.scid  }
0x8b: {  	s0 =	sand.u32 $0x1, s1  }
0x8c: {  	s17 =	sshll.u32 s0, $0xA;
	s2 =	sadd.s32 s3, s2  }
0x8d: {  	s2 =	sadd.s32 s2, s17  }
0x8e: {  	[smem:$0x3FC1] =	sst s2  }
0x8f: {  	_ = 	snop  }
0x90: {  	s2 =	sld [smem:$0x3FC7]  }
0x91: {  	s18 =	sld [smem:$0x3FD0];
	(tm) =	ssettm $0x1  }
0x92: {  	s4 =	sld [smem:$0x3FFB];
	_ =	sdelay $0x3  }
0x93: {  	_ =	strace s4  }
0x94: {  	s4 =	sld [smem:$0x3FFC];
	_ =	sdelay $0x3  }
0x95: {  	_ =	strace s4  }
0x96: {  	s4 =	sld [smem:$0x3FFD];
	_ =	sdelay $0x3  }
0x97: {  	_ =	strace s4  }
0x98: {  	_ =	strace $0x8FFFFFFF  }
0x99: {  	s19 =	sld [smem:$0x3FDB];
	_ =	sdelay $0x1  }
0x9a: {  	s5 =	simm.s32 $_scs_section_size  }
0x9b: {  	s6 =	simm.s32 $_size__tile_overlayer_lowered;
	s7 =	simm.s32 $_tile_overlayer_lowered  }
0x9c: {  	s22 =	simm.s32 $0x1BFF;
	s21 =	sshll.u32 s7, $0x1;
	s4 =	sadd.s32 s5, s19  }
0x9d: {  	s8 =	simm.s32 $0x0;
	s20 =	sshll.u32 s6, $0x1;
	s6 =	sadd.s32 s21, s4  }
0x9e: {  	[timem:s8], [sflag:s22] =	dma.local [hbm:s6], s20  }
0x9f: {  	_ =	swait.ge [sflag:s22], s20  }
0xa0: {  	s5 =	ssub.s32 $0x0, s20;
	[sflag:s22] =	ssyncset.done $0x0  }
0xa1: {  	[sflag:s22] =	ssyncadd.s32 s5;
	_ =	sdelay $0x1  }
0xa2: {  	s23 =	simm.s32 $0x1B8B  }
0xa3: {  	_ =	swait.ge [sflag:s23], $0x1  }
0xa4: {  	[sflag:s23] =	ssyncset.done $0x0  }
0xa5: {  	s25 =	simm.s32 $0x1B8E;
	s24 =	sld [smem:$0x3FFE];
	[sflag:s23] =	ssyncadd.s32 $0xFFFFFFFF  }
0xa6: {  	s26 =	simm.s32 $execute0_lowered;
	[smem:$0x3FD2] =	sst s25  }
0xa7: {  	s6 =	sshll.u32 s26, $0x1;
	_ =	strace $0x80000049;
	[dreg:$0x1] =	wrdreg $0xFFFFFFFF  }
0xa8: {  	s28 =	simm.s32 $_size_execute0_lowered;
	s4 =	sadd.s32 s4, s6;
	[dreg:$0x0] =	wrdreg $0x0  }
0xa9: {  	s6 =	sshll.u32 s28, $0x1;
	[dreg:$0x2] =	wrdreg s4  }
0xaa: {  	[dreg:$0x3] =	wrdreg s6  }
0xab: {  	[dreg:$0x4] =	wrdreg $0xC0  }
0xac: {  	_ =	task [dreg:s8], $0x5FFFF  }
0xad: {  	[dreg:$0x1] =	wrdreg $0xFFFFFFFF  }
0xae: {  	[dreg:$0x0] =	wrdreg $0x60  }
0xaf: {  	[dreg:$0x2] =	wrdreg s18  }
0xb0: {  	[dreg:$0x3] =	wrdreg s24  }
0xb1: {  	[dreg:$0x4] =	wrdreg s2  }
0xb2: {  	[dreg:$0x5] =	wrdreg $0x77800  }
0xb3: {  	[dreg:$0x6] =	wrdreg $0x9  }
0xb4: {  	_ =	task.clear_ibuf [dreg:s8], $0x7FFFF;
	_ =	strace $0x90000049  }
0xb5: {  	s29 =	simm.s32 $0x9;
	_ =	strace $0x8000004B  }
0xb6: {  	_ =	swait.ge [sflag:s29], $0x1  }
0xb7: {  	[sflag:s29] =	ssyncadd.s32 $0xFFFFFFFF  }
0xb8: {  	_ =	strace $0x9000004B  }
0xb9: {  	_ =	sfence  }
0xba: {  	s30 =	sld [smem:$0x0];
	_ =	sdelay $0x2  }
0xbb: {  	s31 =	sshll.u32 s1, $0xD;
	s1 =	sshrl.u32 s1, $0x2  }
0xbc: {  	s3 =	sand.u32 $0x4000, s31;
	s1 =	sadd.s32 s1, s30  }
0xbd: {  	s0 =	sor.u32 s3, s0;
	s1 =	sshll.u32 s1, $0x11  }
0xbe: {  	s0 =	sor.u32 s1, s0  }
0xbf: {  	s0 =	sadd.s32 $0x8F2B, s0  }
0xc0: {  	[sflag:s0] =	ssyncadd.remote.s32 $0x1  }
0xc1: {  	_ =	sfence.sel $0xFFFF  }
0xc2: {  	[dreg:$0x0] =	wrdreg $0xFFFFFFFF;
	(pc) =	sbr.abs _section_cstart, $3  }
0xc3: {  	[dreg:$0x1] =	wrdreg $0xFFFFFFFF  }
0xc4: {  	_ =	task.clear_ibuf [dreg:s8], $0x2FFFF;
	_ =	strace $0x9FFFFFFF  }
0xc5: {  	(tm) =	ssettm $0x7FFFFFFF  }
tec
execute0_lowered:
.L_overlay_start_1:
0x0: {  	(tag) =	ssettag $0x1  }
0x1: {  	s1 =	rddreg [dreg:$0x0]  }
0x2: {  	s8 =	rddreg [dreg:$0x1]  }
0x3: {  	s10 =	rddreg [dreg:$0x2]  }
0x4: {  	s0 =	srdreg.scid;
	s3 =	rddreg [dreg:$0x3];
	s5 =	simm.s32 $0x0  }
0x5: {  	s18 =	simm.s32 $0x4F00;
	s7 =	sand.u32 $0x1, s0;
	s0 =	stileid.u32  }
0x6: {  	s19 =	simm.s32 $0x1;
	s20 =	simm.s32 $0x0;
	s9 =	smul.u32 $0x14000, s0  }
0x7: {  	[smem:$0x7FF] =	sst s5;
	s6 =	sadd.s32 $0x1200, s8;
	s12 =	smul.u32 $0x140000, s7  }
0x8: {  	s2 =	sshll.u32 s7, $0x4;
	s7 =	ssub.s32 $0x2, s7;
	s28 =	smul.u32 $0x50000, s0  }
0x9: {  	s31 =	sshll.u32 s0, $0x6;
	s2 =	sor.u32 s0, s2;
	s29 =	sshrl.u32 s7, $0x1  }
0xa: {  	s4 =	smul.u32 $0x2710, s2;
	s2 =	rddreg [dreg:$0x4];
	_ =	strace $0x8000004A  }
0xb: {  	s14 =	sshrl.u32 s9, $0x3;
	s9 =	sadd.s32 s9, s12;
	s16 =	ssub.s32 s7, s29  }
0xc: {  	s30 =	sshrl.u32 s28, $0x2;
	s9 =	sshrl.u32 s9, $0x3;
	s14 =	sadd.s32 s14, s8  }
0xd: {  	s17 =	sadd.s32 s30, s3;
	s12 =	smax.u32 s16, $0x1;
	s16 =	simm.s32 $0x50  }
0xe: {  	s11 =	sshrl.u32 s4, $0x3;
	s15 =	sadd.s32 s9, s8;
	s7 =	sadd.s32 $0x14E00, s14  }
0xf: {  	s14 =	simm.s32 $0x2;
	s13 =	sadd.s32 s11, s8;
	s8 =	sor.u32 $0x1C02, s31  }
0x10: {  	s10 =	sadd.s32 s10, s11;
	s11 =	sadd.s32 $0x3CE00, s15;
	s15 =	simm.s32 $0x2780  }
0x11: {  	s9 =	sadd.s32 $0xB000, s13;
	s13 =	sshrl.u32 s17, $0x3;
	s17 =	simm.s32 $0x4F80  }
.LBB2_1:
0x12: {  	[spmem:s13], [sflag:s8] =	dma.local [hbm:s7], $0x2800  }
0x13: {  	_ =	swait.ge [sflag:s14], $0x2800  }
0x14: {  	[sflag:s14] =	ssyncset.done $0x0  }
0x15: {  	[sflag:s14] =	ssyncadd.s32 $0xFFFFD800  }
0x16: {  	[tilespmem:s5], [sflag:$0x2] =	stream.linear.gather [hbm4b:s9+s5], $0x2710, $0x38;
	[tilespmem:$0x1B780] =	vst v63  }
0x17: {  	_ =	swait.ge [sflag:s14], $0x2710  }
0x18: {  	[sflag:s14] =	ssyncset.done $0x0  }
0x19: {  	[sflag:s14] =	ssyncadd.s32 $0xFFFFD8F0  }
0x1a: {  	[tilespmem:s15], [sflag:$0x2] =	stream.linear.gather [hbm4b:s10+s5], $0x2710, $0x38;
	[tilespmem:$0x1B780] =	vst v63  }
0x1b: {  	_ =	swait.ge [sflag:s14], $0x2710  }
0x1c: {  	[sflag:s14] =	ssyncset.done $0x0  }
0x1d: {  	[sflag:s14] =	ssyncadd.s32 $0xFFFFD8F0  }
0x1e: {  	s21 =	simm.s32 $0x0;
	s22 =	simm.s32 $0x0;
	[bflag:$0x0] =	sbarrier.arrive $0xFFFF  }
.LBB2_2:
0x1f: {  	s23 =	smul.u32 $0x50, s22;
	_ =	sdelay $0x1  }
0x20: {  	[tilespmem:s17], [sflag:$0x1] =	stream.indirect.gather [hbm4b:s1+s16], $0x80, s23, s16, $0xb8;
	[tilespmem:$0x1B780] =	vst v63  }
0x21: {  	s23 =	sadd.s32 s4, s23  }
0x22: {  	s23 =	sshrl.u32 s23, $0x3  }
0x23: {  	s24 =	simm.s32 $0x0;
	s23 =	sadd.s32 s6, s23  }
0x24: {  	[tilespmem:s18], [sflag:$0x2] =	stream.linear.gather [hbm4b:s23+s24], $0x50, $0x38;
	[tilespmem:$0x1B780] =	vst v63  }
0x25: {  	_ =	swait.ge [sflag:s14], $0x50  }
0x26: {  	[sflag:s14] =	ssyncset.done $0x0  }
0x27: {  	[sflag:s14] =	ssyncadd.s32 $0xFFFFFFB0  }
0x28: {  	s31 =	sadd.s32 $0x0, s21;
	_ =	swait.ge [sflag:s19], $0x2800  }
0x29: {  	v0 =	vmov s31;
	[sflag:s19] =	ssyncset.done $0x0  }
0x2a: {  	s23 =	simm.s32 $0x4FC0;
	[sflag:s19] =	ssyncadd.s32 $0xFFFFD800  }
0x2b: {  	v4 =	vld [tilespmem:s23+$0x30]  }
0x2c: {  	v7 =	vld [tilespmem:s23+$0x10]  }
0x2d: {  	v5 =	vld [tilespmem:s23+$0xFFFFFFC0]  }
0x2e: {  	v1 =	vld.idx.msk [tilespmem:v0+s15+$0x0], $0xffff  }
0x2f: {  	v9 =	vld [tilespmem:s23+$0xFFFFFFE0]  }
0x30: {  	v0 =	vld [tilespmem:s23+$0xFFFFFFF0]  }
0x31: {  	v2 =	vld [tilespmem:s23+$0x20]  }
0x32: {  	v3 =	vld [tilespmem:s23+$0xFFFFFFD0]  }
0x33: {  	v8 =	vmul.f32 v4, v1;
	v4 =	vld [tilespmem:s23+$0x0]  }
0x34: {  	v6 =	vmul.f32 v5, v1  }
0x35: {  	s25 =	simm.s32 $0x4FC0;
	s24 =	simm.s32 $0x1;
	v5 =	vmul.f32 v9, v1;
	v7 =	vmul.f32 v7, v1  }
.LBB2_3:
0x36: {  	p0 =	sne.s32 s24, $0x4F  }
0x37: {  	v3 =	vmul.f32 v3, v1;
	v2 =	vmul.f32 v2, v1;
	[tilespmem:s23+$0x30] =	vst v8;
	s25 =	sadd.s32 $0x80, s25;
	s26 =	smov.u32 s24;
	s24 =	sadd.s32 $0x1, s24  }
0x38: {  	[tilespmem:s23+$0xFFFFFFC0] =	vst v6;
	v6 =	vmul.f32 v0, v1;
	v1 =	vmul.f32 v4, v1  }
0x39: {  	s26 =	sadd.s32 s26, s21;
	[tilespmem:s23+$0x10] =	vst v7  }
0x3a: {  	v4 =	vmov s26;
	[tilespmem:s23+$0xFFFFFFE0] =	vst v5  }
0x3b: {  	v0 =	vld [tilespmem:s25+$0xFFFFFFF0];
	[tilespmem:s23+$0xFFFFFFF0] =	vst v6  }
0x3c: {  	v5 =	vld [tilespmem:s25+$0x30];
	[tilespmem:s23+$0x0] =	vst v1  }
0x3d: {  	v7 =	vld [tilespmem:s25+$0x10];
	[tilespmem:s23+$0x20] =	vst v2  }
0x3e: {  	v6 =	vld [tilespmem:s25+$0xFFFFFFC0];
	[tilespmem:s23+$0xFFFFFFD0] =	vst v3;
	s23 =	smov.u32 s25  }
0x3f: {  	v1 =	vld.idx.msk [tilespmem:v4+s15+$0x0], $0xffff  }
0x40: {  	v9 =	vld [tilespmem:s25+$0xFFFFFFE0]  }
0x41: {  	v2 =	vld [tilespmem:s25+$0x20]  }
.Ltmp0:
0x42: {  	v3 =	vld [tilespmem:s25+$0xFFFFFFD0];
	(pc) =	sbr.rel @p0 .LBB2_3-.Ltmp0, $3  }
0x43: {  	v4 =	vld [tilespmem:s25+$0x0];
	_ =	sdelay $0x1  }
0x44: {  	v6 =	vmul.f32 v6, v1;
	v8 =	vmul.f32 v5, v1  }
0x45: {  	v7 =	vmul.f32 v7, v1;
	v5 =	vmul.f32 v9, v1  }
0x46: {  	[tilespmem:s23+$0x30] =	vst v8  }
0x47: {  	[tilespmem:s23+$0xFFFFFFC0] =	vst v6  }
0x48: {  	v0 =	vmul.f32 v0, v1;
	[tilespmem:s23+$0x10] =	vst v7  }
0x49: {  	v2 =	vmul.f32 v2, v1;
	[tilespmem:s23+$0xFFFFFFE0] =	vst v5  }
0x4a: {  	v63 =	vmul.f32 v3, v1;
	[tilespmem:s23+$0xFFFFFFF0] =	vst v0  }
0x4b: {  	s22 =	sadd.s32 $0x1, s22;
	v4 =	vmul.f32 v4, v1;
	[tilespmem:s23+$0x20] =	vst v2  }
0x4c: {  	p0 =	sne.s32 s22, $0x7D;
	[tilespmem:s23+$0xFFFFFFD0] =	vst v63  }
.Ltmp1:
0x4d: {  	[tilespmem:s23+$0x0] =	vst v4;
	(pc) =	sbr.rel @p0 .LBB2_2-.Ltmp1, $4  }
0x4e: {  	[spmem:s3] =	stream.indirect.scatter.add.f32 [tilespmem:s17], [sflag:$0x2], $0x80, s18, s16, $0xb8;
	[tilespmem:$0x1B780] =	vst v63  }
0x4f: {  	_ =	swait.ge [sflag:s14], $0x2800  }
0x50: {  	[sflag:s14] =	ssyncset.done $0x0  }
0x51: {  	s21 =	sadd.s32 $0x50, s21;
	[sflag:s14] =	ssyncadd.s32 $0xFFFFD800  }
0x52: {  	s20 =	sadd.s32 $0x1, s20  }
0x53: {  	p0 =	sne.s32 s20, s12  }
.Ltmp2:
0x54: {  	[bflag:$0x0] =	sbarrier.arrive $0xFFFF;
	(pc) =	sbr.rel @p0 .LBB2_1-.Ltmp2, $4  }
0x55: {  	[hbm:s11], [sflag:s8] =	dma.local [spmem:s13], $0x2800  }
0x56: {  	_ =	swait.ge [sflag:s14], $0x2800  }
0x57: {  	[sflag:s14] =	ssyncset.done $0x0  }
0x58: {  	[sflag:s14] =	ssyncadd.s32 $0xFFFFD800  }
0x59: {  	_ =	sfence.sel $0x180000  }
0x5a: {  	[bflag:$0x0] =	sbarrier.arrive $0xFFFF  }
0x5b: {  	p0 =	sne.s32 s0, $0x0;
	_ =	strace $0x9000004A  }
0x5c: {  	s0 =	sadd.s32 @!p0 $0x100000, s2;
	[bflag:$0x2] =	sbarrier.arrive $0xFFFF  }
0x5d: {  	[sflag:s0] =	ssyncadd.tile.s32 @!p0 $0x1;
	_ =	shalt  }
.Lfunc_end2:
_tile_overlayer_lowered:
.L_overlay_start_2:
0x5e: {  	(tag) =	ssettag $0x2  }
0x5f: {  	s0 =	rddreg [dreg:$0x0];
	s2 =	stileid.u32  }
0x60: {  	s1 =	rddreg [dreg:$0x1];
	p0 =	sne.s32 s2, $0x0  }
0x61: {  	s3 =	rddreg [dreg:$0x2];
	[bflag:$0x3] =	sbarrier.arrive $0xFFFF;
	s2 =	simm.s32 @!p0 $0x1C02  }
0x62: {  	[timem:s3], [sflag:s2] =	dma.local @!p0 [hbm:s0], s1  }
0x63: {  	s0 =	simm.s32 @!p0 $0x2  }
0x64: {  	_ =	swait.ge @!p0 [sflag:s0], s1  }
0x65: {  	s1 =	ssub.s32 @!p0 $0x0, s1;
	[sflag:s0] =	ssyncset.done @!p0 $0x0  }
0x66: {  	[sflag:s0] =	ssyncadd.s32 @!p0 s1  }
0x67: {  	[bflag:$0x3] =	sbarrier.arrive $0xFFFF  }
0x68: {  	_ =	shalt  }

// kernel: kernel.7.cloned.1.call-start
scs
__scs_entry_jumppad:
0x0: {  	(pc) =	sbr.rel $0x88, $3  }
0x1: {  	(tag) =	ssettag $0x0;
	lr =	simm.s32 $0x1  }
0x2: {  	[smem:$0x3F9A] =	sst lr;
	_ =	strace $0xD0000000  }
0x3: {  	_ = 	snop  }
0x4: {  	_ = 	snop  }
0x5: {  	_ = 	snop  }
0x6: {  	_ = 	snop  }
0x7: {  	_ = 	snop  }
__scs_overlays_trampoline_lowered:
0x8: {  	[smem:$0x3FA9] =	sst s0  }
0x9: {  	[smem:$0x3FAA] =	sst s1  }
0xa: {  	[smem:$0x3FAB] =	sst s2  }
0xb: {  	[smem:$0x3FAC] =	sst s3  }
0xc: {  	[smem:$0x3FAD] =	sst s4  }
0xd: {  	[smem:$0x3FAE] =	sst s5  }
0xe: {  	[smem:$0x3FAF] =	sst s6  }
0xf: {  	[smem:$0x3FB0] =	sst s7  }
0x10: {  	[smem:$0x3FB1] =	sst s8  }
0x11: {  	[smem:$0x3FB2] =	sst s9;
	s0 =	simm.s32 @!p0 $0x0  }
0x12: {  	s1 =	sld [smem:$0x3F98];
	s0 =	simm.s32 @p0 $0x1  }
0x13: {  	[smem:$0x3FB3] =	sst s0;
	s0 =	simm.s32 @!p1 $0x0  }
0x14: {  	s2 =	sld [smem:$0x3F97];
	s0 =	simm.s32 @p1 $0x1  }
0x15: {  	[smem:$0x3FB4] =	sst s0;
	s0 =	simm.s32 @!p2 $0x0  }
0x16: {  	s3 =	sld [smem:$0x3FDB];
	s0 =	simm.s32 @p2 $0x1  }
0x17: {  	s4 =	simm.s32 $0x1BF5;
	[smem:$0x3FB6] =	sst s0  }
0x18: {  	s0 =	sld [smem:$0x3F99];
	_ =	swait.ge [sflag:s4], $0x0  }
0x19: {  	s7 =	sld [smem:$0x3F9A]  }
0x1a: {  	s8 =	sadd.s32 $0xFFFFE003, lr  }
0x1b: {  	s9 =	sadd.s32 $0xFFFFFEF7, lr;
	s5 =	simm.s32 $0xFFFFFFFF;
	p2 =	slt.u32 s8, $0xFFFFF086  }
0x1c: {  	p1 =	slt.u32 s9, $0xF7A;
	s5 =	simm.s32 @!p2 $0x0  }
0x1d: {  	s5 =	simm.s32 @p1 $0x1;
	p0 =	seq.s32 s7, s2  }
0x1e: {  	s7 =	smul.u32 @!p0 $0xF7A, s2;
	p2 =	seq.s32 @!p0 s5, $0x0  }
0x1f: {  	s9 =	smul.u32 $0xF7A, s1;
	s8 =	simm.s32 @!p0 $0x1BF5;
	p2 =	por !p2, p0  }
0x20: {  	[sflag:s8] =	ssyncset.s32 @!p0 $0xFFFFF086;
	s6 =	sadd.s32 @!p0 s3, s7;
	s7 =	simm.s32 @!p0 $0x108  }
0x21: {  	s3 =	sadd.s32 s3, s9;
	s6 =	sadd.s32 @!p0 $0x88, s6;
	s7 =	simm.s32 @p2 $0x1082  }
0x22: {  	[simem:s7], [sflag:s8] =	dma.local @!p0 [hbm:s6], $0xF7A  }
0x23: {  	s9 =	sor.u32 $0xD0000000, s2;
	s6 =	simm.s32 $0x108;
	_ =	swait.ge @!p0 [sflag:s8], $0x0  }
0x24: {  	s3 =	sadd.s32 $0x88, s3;
	s6 =	simm.s32 @!p1 $0x1082;
	[sflag:s4] =	ssyncset.s32 $0xFFFFF086  }
0x25: {  	[simem:s6], [sflag:s4] =	dma.local [hbm:s3], $0xF7A  }
0x26: {  	[smem:$0x3F9A] =	sst s1;
	(tag) =	ssettag s2;
	_ =	strace s9  }
0x27: {  	s1 =	sld [smem:$0x3FAA]  }
0x28: {  	s2 =	sld [smem:$0x3FAB]  }
0x29: {  	s4 =	sld [smem:$0x3FAD]  }
0x2a: {  	p0 =	seq.s32 s5, $0x0;
	s5 =	sld [smem:$0x3FAE]  }
0x2b: {  	s6 =	sld [smem:$0x3FAF]  }
0x2c: {  	s7 =	sld [smem:$0x3FB0]  }
0x2d: {  	s3 =	simm.s32 $0x108;
	s8 =	sld [smem:$0x3FB1]  }
0x2e: {  	s3 =	simm.s32 @!p0 $0x1082;
	s9 =	sld [smem:$0x3FB2]  }
0x2f: {  	lr =	sadd.s32 s0, s3;
	s0 =	sld [smem:$0x3FA9]  }
0x30: {  	s3 =	sld [smem:$0x3FAC]  }
0x31: {  	[smem:$0x3FB5] =	sst s10  }
0x32: {  	s10 =	sld [smem:$0x3FB3];
	_ =	sdelay $0x3  }
0x33: {  	p0 =	seq.s32 s10, $0x1;
	s10 =	sld [smem:$0x3FB5];
	_ =	sdelay $0x3  }
0x34: {  	[smem:$0x3FB5] =	sst s10  }
0x35: {  	s10 =	sld [smem:$0x3FB4];
	_ =	sdelay $0x3  }
0x36: {  	p1 =	seq.s32 s10, $0x1;
	s10 =	sld [smem:$0x3FB5];
	_ =	sdelay $0x3  }
0x37: {  	[smem:$0x3FB5] =	sst s10  }
0x38: {  	s10 =	sld [smem:$0x3FB6]  }
0x39: {  	_ = 	snop;
	(pc) =	sbr.ind lr, $3  }
0x3a: {  	_ = 	snop  }
0x3b: {  	_ = 	snop  }
0x3c: {  	p2 =	seq.s32 s10, $0x1;
	s10 =	sld [smem:$0x3FB5]  }
0x3d: {  	_ =	shalt  }
0x3e: {  	_ =	shalt  }
0x3f: {  	_ =	shalt  }
0x40: {  	_ =	shalt  }
0x41: {  	_ =	shalt  }
0x42: {  	_ =	shalt  }
0x43: {  	_ =	shalt  }
0x44: {  	_ =	shalt  }
0x45: {  	_ =	shalt  }
0x46: {  	_ =	shalt  }
0x47: {  	_ =	shalt  }
0x48: {  	_ =	shalt  }
0x49: {  	_ =	shalt  }
0x4a: {  	_ =	shalt  }
0x4b: {  	_ =	shalt  }
0x4c: {  	_ =	shalt  }
0x4d: {  	_ =	shalt  }
0x4e: {  	_ =	shalt  }
0x4f: {  	_ =	shalt  }
0x50: {  	_ =	shalt  }
0x51: {  	_ =	shalt  }
0x52: {  	_ =	shalt  }
0x53: {  	_ =	shalt  }
0x54: {  	_ =	shalt  }
0x55: {  	_ =	shalt  }
0x56: {  	_ =	shalt  }
0x57: {  	_ =	shalt  }
0x58: {  	_ =	shalt  }
0x59: {  	_ =	shalt  }
0x5a: {  	_ =	shalt  }
0x5b: {  	_ =	shalt  }
0x5c: {  	_ =	shalt  }
0x5d: {  	_ =	shalt  }
0x5e: {  	_ =	shalt  }
0x5f: {  	_ =	shalt  }
0x60: {  	_ =	shalt  }
0x61: {  	_ =	shalt  }
0x62: {  	_ =	shalt  }
0x63: {  	_ =	shalt  }
0x64: {  	_ =	shalt  }
0x65: {  	_ =	shalt  }
0x66: {  	_ =	shalt  }
0x67: {  	_ =	shalt  }
0x68: {  	_ =	shalt  }
0x69: {  	_ =	shalt  }
0x6a: {  	_ =	shalt  }
0x6b: {  	_ =	shalt  }
0x6c: {  	_ =	shalt  }
0x6d: {  	_ =	shalt  }
0x6e: {  	_ =	shalt  }
0x6f: {  	_ =	shalt  }
0x70: {  	_ =	shalt  }
0x71: {  	_ =	shalt  }
0x72: {  	_ =	shalt  }
0x73: {  	_ =	shalt  }
0x74: {  	_ =	shalt  }
0x75: {  	_ =	shalt  }
0x76: {  	_ =	shalt  }
0x77: {  	_ =	shalt  }
0x78: {  	_ =	shalt  }
0x79: {  	_ =	shalt  }
0x7a: {  	_ =	shalt  }
0x7b: {  	_ =	shalt  }
0x7c: {  	_ =	shalt  }
0x7d: {  	_ =	shalt  }
0x7e: {  	_ =	shalt  }
0x7f: {  	_ =	shalt  }
0x80: {  	_ =	shalt  }
0x81: {  	_ =	shalt  }
0x82: {  	_ =	shalt  }
0x83: {  	_ =	shalt  }
0x84: {  	_ =	shalt  }
0x85: {  	_ =	shalt  }
0x86: {  	_ =	shalt  }
0x87: {  	_ =	shalt  }
.Lfunc_end0:
.L_simem_size_0:
called_computation_lowered:
.L_overlay_start_0:
0x88: {  	s2 =	sld [smem:$0x3FD9]  }
0x89: {  	s3 =	sld [smem:$0x3FFE];
	_ =	sdelay $0x1  }
0x8a: {  	s1 =	srdreg.scid  }
0x8b: {  	s0 =	sand.u32 $0x1, s1  }
0x8c: {  	s17 =	sshll.u32 s0, $0xA;
	s2 =	sadd.s32 s3, s2  }
0x8d: {  	s2 =	sadd.s32 s2, s17  }
0x8e: {  	[smem:$0x3FC1] =	sst s2  }
0x8f: {  	_ = 	snop  }
0x90: {  	s2 =	sld [smem:$0x3FC7]  }
0x91: {  	s18 =	sld [smem:$0x3FD0];
	(tm) =	ssettm $0x1  }
0x92: {  	s4 =	sld [smem:$0x3FFB];
	_ =	sdelay $0x3  }
0x93: {  	_ =	strace s4  }
0x94: {  	s4 =	sld [smem:$0x3FFC];
	_ =	sdelay $0x3  }
0x95: {  	_ =	strace s4  }
0x96: {  	s4 =	sld [smem:$0x3FFD];
	_ =	sdelay $0x3  }
0x97: {  	_ =	strace s4  }
0x98: {  	_ =	strace $0x8FFFFFFF  }
0x99: {  	s19 =	sld [smem:$0x3FDB];
	_ =	sdelay $0x1  }
0x9a: {  	s5 =	simm.s32 $_scs_section_size  }
0x9b: {  	s6 =	simm.s32 $_size__tile_overlayer_lowered;
	s7 =	simm.s32 $_tile_overlayer_lowered  }
0x9c: {  	s22 =	simm.s32 $0x1BFF;
	s21 =	sshll.u32 s7, $0x1;
	s4 =	sadd.s32 s5, s19  }
0x9d: {  	s8 =	simm.s32 $0x0;
	s20 =	sshll.u32 s6, $0x1;
	s6 =	sadd.s32 s21, s4  }
0x9e: {  	[timem:s8], [sflag:s22] =	dma.local [hbm:s6], s20  }
0x9f: {  	_ =	swait.ge [sflag:s22], s20  }
0xa0: {  	s5 =	ssub.s32 $0x0, s20;
	[sflag:s22] =	ssyncset.done $0x0  }
0xa1: {  	[sflag:s22] =	ssyncadd.s32 s5;
	_ =	sdelay $0x1  }
0xa2: {  	s23 =	simm.s32 $0x1B8B  }
0xa3: {  	_ =	swait.ge [sflag:s23], $0x1  }
0xa4: {  	[sflag:s23] =	ssyncset.done $0x0  }
0xa5: {  	s25 =	simm.s32 $0x1B8E;
	s24 =	sld [smem:$0x3FFE];
	[sflag:s23] =	ssyncadd.s32 $0xFFFFFFFF  }
0xa6: {  	s26 =	simm.s32 $execute0_lowered;
	[smem:$0x3FD2] =	sst s25  }
0xa7: {  	s6 =	sshll.u32 s26, $0x1;
	_ =	strace $0x80000046;
	[dreg:$0x1] =	wrdreg $0xFFFFFFFF  }
0xa8: {  	s28 =	simm.s32 $_size_execute0_lowered;
	s4 =	sadd.s32 s4, s6;
	[dreg:$0x0] =	wrdreg $0x0  }
0xa9: {  	s6 =	sshll.u32 s28, $0x1;
	[dreg:$0x2] =	wrdreg s4  }
0xaa: {  	[dreg:$0x3] =	wrdreg s6  }
0xab: {  	[dreg:$0x4] =	wrdreg $0xC0  }
0xac: {  	_ =	task [dreg:s8], $0x5FFFF  }
0xad: {  	[dreg:$0x1] =	wrdreg $0xFFFFFFFF  }
0xae: {  	[dreg:$0x0] =	wrdreg $0x60  }
0xaf: {  	[dreg:$0x2] =	wrdreg s18  }
0xb0: {  	[dreg:$0x3] =	wrdreg s24  }
0xb1: {  	[dreg:$0x4] =	wrdreg s2  }
0xb2: {  	[dreg:$0x5] =	wrdreg $0x77800  }
0xb3: {  	[dreg:$0x6] =	wrdreg $0x9  }
0xb4: {  	_ =	task.clear_ibuf [dreg:s8], $0x7FFFF;
	_ =	strace $0x90000046  }
0xb5: {  	s29 =	simm.s32 $0x9;
	_ =	strace $0x80000048  }
0xb6: {  	_ =	swait.ge [sflag:s29], $0x1  }
0xb7: {  	[sflag:s29] =	ssyncadd.s32 $0xFFFFFFFF  }
0xb8: {  	_ =	strace $0x90000048  }
0xb9: {  	_ =	sfence  }
0xba: {  	s30 =	sld [smem:$0x0];
	_ =	sdelay $0x2  }
0xbb: {  	s31 =	sshll.u32 s1, $0xD;
	s1 =	sshrl.u32 s1, $0x2  }
0xbc: {  	s3 =	sand.u32 $0x4000, s31;
	s1 =	sadd.s32 s1, s30  }
0xbd: {  	s0 =	sor.u32 s3, s0;
	s1 =	sshll.u32 s1, $0x11  }
0xbe: {  	s0 =	sor.u32 s1, s0  }
0xbf: {  	s0 =	sadd.s32 $0x8F2B, s0  }
0xc0: {  	[sflag:s0] =	ssyncadd.remote.s32 $0x1  }
0xc1: {  	_ =	sfence.sel $0xFFFF  }
0xc2: {  	[dreg:$0x0] =	wrdreg $0xFFFFFFFF;
	(pc) =	sbr.abs _section_cstart, $3  }
0xc3: {  	[dreg:$0x1] =	wrdreg $0xFFFFFFFF  }
0xc4: {  	_ =	task.clear_ibuf [dreg:s8], $0x2FFFF;
	_ =	strace $0x9FFFFFFF  }
0xc5: {  	(tm) =	ssettm $0x7FFFFFFF  }
tec
execute0_lowered:
.L_overlay_start_1:
0x0: {  	(tag) =	ssettag $0x1  }
0x1: {  	s1 =	rddreg [dreg:$0x0]  }
0x2: {  	s8 =	rddreg [dreg:$0x1]  }
0x3: {  	s10 =	rddreg [dreg:$0x2]  }
0x4: {  	s0 =	srdreg.scid;
	s3 =	rddreg [dreg:$0x3];
	s5 =	simm.s32 $0x0  }
0x5: {  	s18 =	simm.s32 $0x4F00;
	s7 =	sand.u32 $0x1, s0;
	s0 =	stileid.u32  }
0x6: {  	s19 =	simm.s32 $0x1;
	s20 =	simm.s32 $0x0;
	s9 =	smul.u32 $0x14000, s0  }
0x7: {  	[smem:$0x7FF] =	sst s5;
	s6 =	sadd.s32 $0x1200, s8;
	s12 =	smul.u32 $0x140000, s7  }
0x8: {  	s2 =	sshll.u32 s7, $0x4;
	s7 =	ssub.s32 $0x2, s7;
	s28 =	smul.u32 $0x50000, s0  }
0x9: {  	s31 =	sshll.u32 s0, $0x6;
	s2 =	sor.u32 s0, s2;
	s29 =	sshrl.u32 s7, $0x1  }
0xa: {  	s4 =	smul.u32 $0x2710, s2;
	s2 =	rddreg [dreg:$0x4];
	_ =	strace $0x80000047  }
0xb: {  	s14 =	sshrl.u32 s9, $0x3;
	s9 =	sadd.s32 s9, s12;
	s16 =	ssub.s32 s7, s29  }
0xc: {  	s30 =	sshrl.u32 s28, $0x2;
	s9 =	sshrl.u32 s9, $0x3;
	s14 =	sadd.s32 s14, s8  }
0xd: {  	s17 =	sadd.s32 s30, s3;
	s12 =	smax.u32 s16, $0x1;
	s16 =	simm.s32 $0x50  }
0xe: {  	s11 =	sshrl.u32 s4, $0x3;
	s15 =	sadd.s32 s9, s8;
	s7 =	sadd.s32 $0x14E00, s14  }
0xf: {  	s14 =	simm.s32 $0x2;
	s13 =	sadd.s32 s11, s8;
	s8 =	sor.u32 $0x1C02, s31  }
0x10: {  	s10 =	sadd.s32 s10, s11;
	s11 =	sadd.s32 $0x3CE00, s15;
	s15 =	simm.s32 $0x2780  }
0x11: {  	s9 =	sadd.s32 $0xB000, s13;
	s13 =	sshrl.u32 s17, $0x3;
	s17 =	simm.s32 $0x4F80  }
.LBB2_1:
0x12: {  	[spmem:s13], [sflag:s8] =	dma.local [hbm:s7], $0x2800  }
0x13: {  	_ =	swait.ge [sflag:s14], $0x2800  }
0x14: {  	[sflag:s14] =	ssyncset.done $0x0  }
0x15: {  	[sflag:s14] =	ssyncadd.s32 $0xFFFFD800  }
0x16: {  	[tilespmem:s5], [sflag:$0x2] =	stream.linear.gather [hbm4b:s9+s5], $0x2710, $0x38;
	[tilespmem:$0x1B780] =	vst v63  }
0x17: {  	_ =	swait.ge [sflag:s14], $0x2710  }
0x18: {  	[sflag:s14] =	ssyncset.done $0x0  }
0x19: {  	[sflag:s14] =	ssyncadd.s32 $0xFFFFD8F0  }
0x1a: {  	[tilespmem:s15], [sflag:$0x2] =	stream.linear.gather [hbm4b:s10+s5], $0x2710, $0x38;
	[tilespmem:$0x1B780] =	vst v63  }
0x1b: {  	_ =	swait.ge [sflag:s14], $0x2710  }
0x1c: {  	[sflag:s14] =	ssyncset.done $0x0  }
0x1d: {  	[sflag:s14] =	ssyncadd.s32 $0xFFFFD8F0  }
0x1e: {  	s21 =	simm.s32 $0x0;
	s22 =	simm.s32 $0x0;
	[bflag:$0x0] =	sbarrier.arrive $0xFFFF  }
.LBB2_2:
0x1f: {  	s23 =	smul.u32 $0x50, s22;
	_ =	sdelay $0x1  }
0x20: {  	[tilespmem:s17], [sflag:$0x1] =	stream.indirect.gather [hbm4b:s1+s16], $0x80, s23, s16, $0xb8;
	[tilespmem:$0x1B780] =	vst v63  }
0x21: {  	s23 =	sadd.s32 s4, s23  }
0x22: {  	s23 =	sshrl.u32 s23, $0x3  }
0x23: {  	s24 =	simm.s32 $0x0;
	s23 =	sadd.s32 s6, s23  }
0x24: {  	[tilespmem:s18], [sflag:$0x2] =	stream.linear.gather [hbm4b:s23+s24], $0x50, $0x38;
	[tilespmem:$0x1B780] =	vst v63  }
0x25: {  	_ =	swait.ge [sflag:s14], $0x50  }
0x26: {  	[sflag:s14] =	ssyncset.done $0x0  }
0x27: {  	[sflag:s14] =	ssyncadd.s32 $0xFFFFFFB0  }
0x28: {  	s31 =	sadd.s32 $0x0, s21;
	_ =	swait.ge [sflag:s19], $0x2800  }
0x29: {  	v0 =	vmov s31;
	[sflag:s19] =	ssyncset.done $0x0  }
0x2a: {  	s23 =	simm.s32 $0x4FC0;
	[sflag:s19] =	ssyncadd.s32 $0xFFFFD800  }
0x2b: {  	v4 =	vld [tilespmem:s23+$0x30]  }
0x2c: {  	v7 =	vld [tilespmem:s23+$0x10]  }
0x2d: {  	v5 =	vld [tilespmem:s23+$0xFFFFFFC0]  }
0x2e: {  	v1 =	vld.idx.msk [tilespmem:v0+s15+$0x0], $0xffff  }
0x2f: {  	v9 =	vld [tilespmem:s23+$0xFFFFFFE0]  }
0x30: {  	v0 =	vld [tilespmem:s23+$0xFFFFFFF0]  }
0x31: {  	v2 =	vld [tilespmem:s23+$0x20]  }
0x32: {  	v3 =	vld [tilespmem:s23+$0xFFFFFFD0]  }
0x33: {  	v8 =	vmul.f32 v4, v1;
	v4 =	vld [tilespmem:s23+$0x0]  }
0x34: {  	v6 =	vmul.f32 v5, v1  }
0x35: {  	s25 =	simm.s32 $0x4FC0;
	s24 =	simm.s32 $0x1;
	v5 =	vmul.f32 v9, v1;
	v7 =	vmul.f32 v7, v1  }
.LBB2_3:
0x36: {  	p0 =	sne.s32 s24, $0x4F  }
0x37: {  	v3 =	vmul.f32 v3, v1;
	v2 =	vmul.f32 v2, v1;
	[tilespmem:s23+$0x30] =	vst v8;
	s25 =	sadd.s32 $0x80, s25;
	s26 =	smov.u32 s24;
	s24 =	sadd.s32 $0x1, s24  }
0x38: {  	[tilespmem:s23+$0xFFFFFFC0] =	vst v6;
	v6 =	vmul.f32 v0, v1;
	v1 =	vmul.f32 v4, v1  }
0x39: {  	s26 =	sadd.s32 s26, s21;
	[tilespmem:s23+$0x10] =	vst v7  }
0x3a: {  	v4 =	vmov s26;
	[tilespmem:s23+$0xFFFFFFE0] =	vst v5  }
0x3b: {  	v0 =	vld [tilespmem:s25+$0xFFFFFFF0];
	[tilespmem:s23+$0xFFFFFFF0] =	vst v6  }
0x3c: {  	v5 =	vld [tilespmem:s25+$0x30];
	[tilespmem:s23+$0x0] =	vst v1  }
0x3d: {  	v7 =	vld [tilespmem:s25+$0x10];
	[tilespmem:s23+$0x20] =	vst v2  }
0x3e: {  	v6 =	vld [tilespmem:s25+$0xFFFFFFC0];
	[tilespmem:s23+$0xFFFFFFD0] =	vst v3;
	s23 =	smov.u32 s25  }
0x3f: {  	v1 =	vld.idx.msk [tilespmem:v4+s15+$0x0], $0xffff  }
0x40: {  	v9 =	vld [tilespmem:s25+$0xFFFFFFE0]  }
0x41: {  	v2 =	vld [tilespmem:s25+$0x20]  }
.Ltmp0:
0x42: {  	v3 =	vld [tilespmem:s25+$0xFFFFFFD0];
	(pc) =	sbr.rel @p0 .LBB2_3-.Ltmp0, $3  }
0x43: {  	v4 =	vld [tilespmem:s25+$0x0];
	_ =	sdelay $0x1  }
0x44: {  	v6 =	vmul.f32 v6, v1;
	v8 =	vmul.f32 v5, v1  }
0x45: {  	v7 =	vmul.f32 v7, v1;
	v5 =	vmul.f32 v9, v1  }
0x46: {  	[tilespmem:s23+$0x30] =	vst v8  }
0x47: {  	[tilespmem:s23+$0xFFFFFFC0] =	vst v6  }
0x48: {  	v0 =	vmul.f32 v0, v1;
	[tilespmem:s23+$0x10] =	vst v7  }
0x49: {  	v2 =	vmul.f32 v2, v1;
	[tilespmem:s23+$0xFFFFFFE0] =	vst v5  }
0x4a: {  	v63 =	vmul.f32 v3, v1;
	[tilespmem:s23+$0xFFFFFFF0] =	vst v0  }
0x4b: {  	s22 =	sadd.s32 $0x1, s22;
	v4 =	vmul.f32 v4, v1;
	[tilespmem:s23+$0x20] =	vst v2  }
0x4c: {  	p0 =	sne.s32 s22, $0x7D;
	[tilespmem:s23+$0xFFFFFFD0] =	vst v63  }
.Ltmp1:
0x4d: {  	[tilespmem:s23+$0x0] =	vst v4;
	(pc) =	sbr.rel @p0 .LBB2_2-.Ltmp1, $4  }
0x4e: {  	[spmem:s3] =	stream.indirect.scatter.add.f32 [tilespmem:s17], [sflag:$0x2], $0x80, s18, s16, $0xb8;
	[tilespmem:$0x1B780] =	vst v63  }
0x4f: {  	_ =	swait.ge [sflag:s14], $0x2800  }
0x50: {  	[sflag:s14] =	ssyncset.done $0x0  }
0x51: {  	s21 =	sadd.s32 $0x50, s21;
	[sflag:s14] =	ssyncadd.s32 $0xFFFFD800  }
0x52: {  	s20 =	sadd.s32 $0x1, s20  }
0x53: {  	p0 =	sne.s32 s20, s12  }
.Ltmp2:
0x54: {  	[bflag:$0x0] =	sbarrier.arrive $0xFFFF;
	(pc) =	sbr.rel @p0 .LBB2_1-.Ltmp2, $4  }
0x55: {  	[hbm:s11], [sflag:s8] =	dma.local [spmem:s13], $0x2800  }
0x56: {  	_ =	swait.ge [sflag:s14], $0x2800  }
0x57: {  	[sflag:s14] =	ssyncset.done $0x0  }
0x58: {  	[sflag:s14] =	ssyncadd.s32 $0xFFFFD800  }
0x59: {  	_ =	sfence.sel $0x180000  }
0x5a: {  	[bflag:$0x0] =	sbarrier.arrive $0xFFFF  }
0x5b: {  	p0 =	sne.s32 s0, $0x0;
	_ =	strace $0x90000047  }
0x5c: {  	s0 =	sadd.s32 @!p0 $0x100000, s2;
	[bflag:$0x2] =	sbarrier.arrive $0xFFFF  }
0x5d: {  	[sflag:s0] =	ssyncadd.tile.s32 @!p0 $0x1;
	_ =	shalt  }
.Lfunc_end2:
_tile_overlayer_lowered:
.L_overlay_start_2:
0x5e: {  	(tag) =	ssettag $0x2  }
0x5f: {  	s0 =	rddreg [dreg:$0x0];
	s2 =	stileid.u32  }
0x60: {  	s1 =	rddreg [dreg:$0x1];
	p0 =	sne.s32 s2, $0x0  }
0x61: {  	s3 =	rddreg [dreg:$0x2];
	[bflag:$0x3] =	sbarrier.arrive $0xFFFF;
	s2 =	simm.s32 @!p0 $0x1C02  }
0x62: {  	[timem:s3], [sflag:s2] =	dma.local @!p0 [hbm:s0], s1  }
0x63: {  	s0 =	simm.s32 @!p0 $0x2  }
0x64: {  	_ =	swait.ge @!p0 [sflag:s0], s1  }
0x65: {  	s1 =	ssub.s32 @!p0 $0x0, s1;
	[sflag:s0] =	ssyncset.done @!p0 $0x0  }
0x66: {  	[sflag:s0] =	ssyncadd.s32 @!p0 s1  }
0x67: {  	[bflag:$0x3] =	sbarrier.arrive $0xFFFF  }
0x68: {  	_ =	shalt  }

</sc_bundles>
